<compile_context>
chip_gen: v7x
topology: tpu7x:2x2x1
jax: 0.10.2.dev20260603
libtpu: 0.0.44.dev20260713+nightly
codegen_flags: <defaults>
</compile_context>

<pallas_src>
import functools

import jax
import jax.numpy as jnp
from jax import lax
from jax.experimental import pallas as pl
from jax.experimental.pallas import tpu as pltpu
from jax.experimental.pallas import tpu_sc as plsc

_NC = 2
_NS = 16
_NW = _NC * _NS


@functools.lru_cache(maxsize=None)
def _gather_call(B, E, CH, BB, HW, TW):
    per_w = B // _NW
    n_chunks = per_w // CH
    assert n_chunks >= 4 and n_chunks % 2 == 0
    mesh = plsc.VectorSubcoreMesh(core_axis_name="c", subcore_axis_name="s")

    Q = 128 // E
    YB = BB // Q

    def _out_slice(out_hbm, off):
        h = off // HW
        bo = off % HW
        blk = bo // BB
        t = bo % BB
        q = t // YB
        y0 = t % YB
        u0 = h * (HW // Q) + blk * YB + y0
        return out_hbm.at[pl.ds(u0, CH), pl.ds(q * E, E)]

    @functools.partial(
        pl.kernel,
        mesh=mesh,
        out_type=jax.ShapeDtypeStruct((B // Q, 128), jnp.float32),
        scratch_types=[
            pltpu.VMEM((CH,), jnp.int32),
            pltpu.VMEM((CH,), jnp.int32),
            pltpu.VMEM((CH, E), jnp.float32),
            pltpu.VMEM((CH, E), jnp.float32),
            pltpu.SemaphoreType.DMA,
            pltpu.SemaphoreType.DMA,
            pltpu.SemaphoreType.DMA,
            pltpu.SemaphoreType.DMA,
        ],
        compiler_params=pltpu.CompilerParams(use_tc_tiling_on_sc=False),
    )
    def k(idx_hbm, table_hbm, out_hbm, iv0, iv1, r0, r1, g0, g1, o0, o1):
        wid = lax.axis_index("s") * _NC + lax.axis_index("c")
        base = wid * per_w
        iv = (iv0, iv1)
        rows = (r0, r1)
        g = (g0, g1)
        o = (o0, o1)

        tq_sh = (TW // Q).bit_length() - 1
        q_sh = Q.bit_length() - 1

        def load_idx(b, off):
            pltpu.sync_copy(idx_hbm.at[pl.ds(off, CH)], iv[b])

            def remap(v, carry):
                r = iv[b][pl.ds(v * 16, 16)]
                t = jnp.bitwise_and(r, TW - 1)
                iv[b][pl.ds(v * 16, 16)] = (
                    r - t
                    + jnp.left_shift(jnp.bitwise_and(t, TW // Q - 1), q_sh)
                    + jnp.right_shift(t, tq_sh))
                return carry

            lax.fori_loop(0, CH // 16, remap, 0)

        for b in range(2):
            load_idx(b, base + b * CH)
            pltpu.async_copy(table_hbm.at[iv[b]], rows[b], g[b])

        def body(j, carry):
            for b in range(2):
                i = 2 * j + b
                off = base + i * CH
                pltpu.make_async_copy(table_hbm.at[iv[b]], rows[b], g[b]).wait()
                out_cp = pltpu.make_async_copy(
                    rows[b], _out_slice(out_hbm, off), o[b])
                out_cp.start()

                @pl.when(i + 2 < n_chunks)
                def _():
                    load_idx(b, off + 2 * CH)
                    out_cp.wait()
                    pltpu.async_copy(table_hbm.at[iv[b]], rows[b], g[b])

            return carry

        lax.fori_loop(0, n_chunks // 2, body, 0)

        for b in range(2):
            off = base + (n_chunks - 2 + b) * CH
            pltpu.make_async_copy(
                rows[b], _out_slice(out_hbm, off), o[b]).wait()

    return k


@functools.lru_cache(maxsize=None)
def _tprep_call(V, E, W):
    Q = 128 // E
    WQ = W // Q
    nblk = (V + W - 1) // W

    def body(in_ref, out_ref):
        m = jnp.concatenate(
            [in_ref[:, q * WQ:(q + 1) * WQ] for q in range(Q)], axis=0)
        out_ref[...] = jnp.transpose(m)

    return pl.pallas_call(
        body,
        grid=(nblk,),
        in_specs=[pl.BlockSpec((E, W), lambda wi: (0, wi))],
        out_specs=pl.BlockSpec((WQ, 128), lambda wi: (wi, 0)),
        out_shape=jax.ShapeDtypeStruct((nblk * WQ, 128), jnp.float32),
    )


@functools.lru_cache(maxsize=None)
def _xpose_call(B0, H, E, BB):
    Q = 128 // E
    HB = 2
    grid = (H // HB, B0 // BB)

    def body(in_ref, out_ref):
        for hh in range(HB):
            t = jnp.transpose(in_ref[hh])
            out_ref[hh] = jnp.concatenate(
                [t[q * E:(q + 1) * E] for q in range(Q)], axis=1)

    return pl.pallas_call(
        body,
        grid=grid,
        in_specs=[pl.BlockSpec((HB, BB // Q, 128), lambda hi, bi: (hi, bi, 0))],
        out_specs=pl.BlockSpec((HB, E, BB), lambda hi, bi: (hi, 0, bi)),
        out_shape=jax.ShapeDtypeStruct((H, E, B0), jnp.float32),
    )


def kernel(x, table):
    B0, H = x.shape
    V, E = table.shape
    BB = 16384
    TW = 2048
    tp = _tprep_call(V, E, TW)(jnp.transpose(table))
    tv = tp.reshape(tp.shape[0] * (128 // E), E)
    flat = jnp.transpose(x).reshape(B0 * H)
    g = _gather_call(B0 * H, E, 1024, BB, B0, TW)(flat, tv)
    gv = g.reshape(H, B0 * E // 128, 128)
    ot = _xpose_call(B0, H, E, BB)(gv)
    return jnp.transpose(ot, (2, 0, 1))

# --- scband reference (transcript-rebuilt; emitter-appended) ---
"""Pipeline reference for scband-enhanced-embedding-23416161698078 (READ-ONLY COPY).

The authoritative reference and input builder live on the scoring server;
editing this copy changes nothing except your own understanding.
"""

import jax, jax.numpy as jnp
import numpy as np

VOCAB = 1000000
EMB = 32
BATCH = 16384
HIST = 200

def setup_inputs(seed: int = 0) -> dict:
    key = jax.random.key(seed)
    k1, k2 = jax.random.split(key)
    x = jax.random.randint(k1, (BATCH, HIST), 0, VOCAB, dtype=jnp.int32)
    # pretrained embedding table (trainable, padding_idx=0 kept as-is in forward)
    table = jax.random.normal(k2, (VOCAB, EMB), dtype=jnp.float32)
    return {"x": x, "table": table}

def reference(x, table):
    # nn.Embedding.from_pretrained(...)(x) == table[x]
    return jnp.take(table, x, axis=0)

if __name__ == "__main__":
    import jax
    _d = setup_inputs()
    print(jax.jit(kernel)(*tuple(_d.values())))

</pallas_src>

<mosaic_0001>
#map = affine_map<(d0, d1) -> (0)>
#map1 = affine_map<(d0, d1) -> (0, 0)>
module attributes {stable_mosaic.version = 14 : i64} {
  func.func @k(%arg0: i32, %arg1: i32, %arg2: memref<3276800xi32, #tpu.memory_space<hbm>>, %arg3: memref<1001472x32xf32, #tpu.memory_space<hbm>>, %arg4: memref<819200x128xf32, #tpu.memory_space<hbm>>, %arg5: memref<1024xi32, #tpu.memory_space<vmem>>, %arg6: memref<1024xi32, #tpu.memory_space<vmem>>, %arg7: memref<1024x32xf32, #tpu.memory_space<vmem>>, %arg8: memref<1024x32xf32, #tpu.memory_space<vmem>>, %arg9: memref<!tpu.dma_semaphore, #tpu.memory_space<semaphore_mem>>, %arg10: memref<!tpu.dma_semaphore, #tpu.memory_space<semaphore_mem>>, %arg11: memref<!tpu.dma_semaphore, #tpu.memory_space<semaphore_mem>>, %arg12: memref<!tpu.dma_semaphore, #tpu.memory_space<semaphore_mem>>) attributes {dimension_semantics = [#tpu.dimension_semantics<core_parallel>, #tpu.dimension_semantics<subcore_parallel>], iteration_bounds = array<i64: 2, 16>, scalar_prefetch = 0 : i64, scratch_operands = 8 : i64, tpu.core_type = #tpu.core_type<sc_vector_subcore>, window_params = [{transform_indices = #map}, {transform_indices = #map1}, {transform_indices = #map1}]} {
    %mul3A = arith.constant 2 : i32
    %mul3A_0 = arith.muli %arg1, %mul3A : i32
    %add3A = arith.addi %mul3A_0, %arg0 : i32
    %mul3A_1 = arith.constant 102400 : i32
    %mul3A_2 = arith.muli %add3A, %mul3A_1 : i32
    %add3A_3 = arith.constant 0 : i32
    %add3A_4 = arith.addi %mul3A_2, %add3A_3 : i32
    "tpu.region"() ({
      %run_scoped3A = tpu.sem_alloc : memref<!tpu.dma_semaphore, #tpu.memory_space<semaphore_mem>>
      %dma_start3A_282 = tpu.memref_slice %arg2[%add3A_4] : memref<3276800xi32, #tpu.memory_space<hbm>> -> memref<1024xi32, #tpu.memory_space<hbm>>
      %dma_start3A_283 = tpu.memref_slice %arg2[%add3A_4] : memref<3276800xi32, #tpu.memory_space<hbm>> -> memref<1024xi32, #tpu.memory_space<hbm>>
      tpu.enqueue_dma source(%dma_start3A_283 : memref<1024xi32, #tpu.memory_space<hbm>>) target(%arg5 : memref<1024xi32, #tpu.memory_space<vmem>>) target_semaphore(%run_scoped3A : memref<!tpu.dma_semaphore, #tpu.memory_space<semaphore_mem>>)
      %dma_wait3A_284 = tpu.memref_slice %arg2[%add3A_4] : memref<3276800xi32, #tpu.memory_space<hbm>> -> memref<1024xi32, #tpu.memory_space<hbm>>
      %dma_wait3A_285 = tpu.memref_slice %arg2[%add3A_4] : memref<3276800xi32, #tpu.memory_space<hbm>> -> memref<1024xi32, #tpu.memory_space<hbm>>
      tpu.wait_dma2 semaphore(%run_scoped3A : memref<!tpu.dma_semaphore, #tpu.memory_space<semaphore_mem>>) src(%dma_wait3A_285 : memref<1024xi32, #tpu.memory_space<hbm>>) dst(%arg5 : memref<1024xi32, #tpu.memory_space<vmem>>)
      tpu.yield
    }) : () -> ()
    %scan3A = arith.constant 0 : i32
    %scan3A_5 = arith.constant 0 : i32
    %scan3A_6 = arith.constant 64 : i32
    %scan3A_7 = arith.addi %scan3A_5, %scan3A_6 : i32
    %scan3A_8 = arith.constant 1 : i32
    scf.for %scan3A_282 = %scan3A_5 to %scan3A_7 step %scan3A_8  : i32 {
      %mul3A_283 = arith.constant 16 : i32
      %mul3A_284 = arith.muli %scan3A_282, %mul3A_283 : i32
      %get3A = arith.index_cast %mul3A_284 : i32 to index
      %get3A_285 = tpu.vector_load %arg5[%get3A] {strides = array<i32>} : memref<1024xi32, #tpu.memory_space<vmem>>, vector<16xi32>,
      %get3A_286 = vector.shape_cast %get3A_285 : vector<16xi32> to vector<16xi32>
      %and3A_287 = arith.constant 2047 : i32
      %and3A_288 = vector.broadcast %and3A_287 : i32 to vector<16xi32>
      %and3A_289 = arith.andi %get3A_286, %and3A_288 : vector<16xi32>
      %sub3A_290 = arith.subi %get3A_286, %and3A_289 : vector<16xi32>
      %and3A_291 = arith.constant 511 : i32
      %and3A_292 = vector.broadcast %and3A_291 : i32 to vector<16xi32>
      %and3A_293 = arith.andi %and3A_289, %and3A_292 : vector<16xi32>
      %shift_left3A = arith.constant 2 : i32
      %shift_left3A_294 = vector.broadcast %shift_left3A : i32 to vector<16xi32>
      %shift_left3A_295 = arith.shli %and3A_293, %shift_left3A_294 : vector<16xi32>
      %add3A_296 = arith.addi %sub3A_290, %shift_left3A_295 : vector<16xi32>
      %shift_right_arithmetic3A = arith.constant 9 : i32
      %shift_right_arithmetic3A_297 = vector.broadcast %shift_right_arithmetic3A : i32 to vector<16xi32>
      %shift_right_arithmetic3A_298 = arith.shrsi %and3A_289, %shift_right_arithmetic3A_297 : vector<16xi32>
      %add3A_299 = arith.addi %add3A_296, %shift_right_arithmetic3A_298 : vector<16xi32>
      %mul3A_300 = arith.constant 16 : i32
      %mul3A_301 = arith.muli %scan3A_282, %mul3A_300 : i32
      %swap3A = arith.index_cast %mul3A_301 : i32 to index
      %swap3A_302 = tpu.vector_load %arg5[%swap3A] {strides = array<i32>} : memref<1024xi32, #tpu.memory_space<vmem>>, vector<16xi32>,
      %swap3A_303 = vector.shape_cast %swap3A_302 : vector<16xi32> to vector<16xi32>
      %swap3A_304 = vector.shape_cast %add3A_299 : vector<16xi32> to vector<16xi32>
      tpu.vector_store %arg5[%swap3A], %swap3A_304 {strides = array<i32>} : memref<1024xi32, #tpu.memory_space<vmem>>, vector<16xi32>,
    }
    %scan3A_9 = arith.constant 64 : i32
    %dma_start3A = arith.constant 0 : i32
    %dma_start3A_10 = arith.constant 0 : i32
    %dma_start3A_11 = tpu.memref_slice %arg3[%dma_start3A, %dma_start3A_10] : memref<1001472x32xf32, #tpu.memory_space<hbm>> -> memref<1001472x32xf32, #tpu.memory_space<hbm>>
    tpu.enqueue_indirect_dma source(%dma_start3A_11 : memref<1001472x32xf32, #tpu.memory_space<hbm>>) target(%arg7 : memref<1024x32xf32, #tpu.memory_space<vmem>>) offsets(%arg5 : memref<1024xi32, #tpu.memory_space<vmem>>) semaphore(%arg9 : memref<!tpu.dma_semaphore, #tpu.memory_space<semaphore_mem>>)
    %add3A_12 = arith.constant 1024 : i32
    %add3A_13 = arith.addi %mul3A_2, %add3A_12 : i32
    "tpu.region"() ({
      %run_scoped3A = tpu.sem_alloc : memref<!tpu.dma_semaphore, #tpu.memory_space<semaphore_mem>>
      %dma_start3A_282 = tpu.memref_slice %arg2[%add3A_13] : memref<3276800xi32, #tpu.memory_space<hbm>> -> memref<1024xi32, #tpu.memory_space<hbm>>
      %dma_start3A_283 = tpu.memref_slice %arg2[%add3A_13] : memref<3276800xi32, #tpu.memory_space<hbm>> -> memref<1024xi32, #tpu.memory_space<hbm>>
      tpu.enqueue_dma source(%dma_start3A_283 : memref<1024xi32, #tpu.memory_space<hbm>>) target(%arg6 : memref<1024xi32, #tpu.memory_space<vmem>>) target_semaphore(%run_scoped3A : memref<!tpu.dma_semaphore, #tpu.memory_space<semaphore_mem>>)
      %dma_wait3A_284 = tpu.memref_slice %arg2[%add3A_13] : memref<3276800xi32, #tpu.memory_space<hbm>> -> memref<1024xi32, #tpu.memory_space<hbm>>
      %dma_wait3A_285 = tpu.memref_slice %arg2[%add3A_13] : memref<3276800xi32, #tpu.memory_space<hbm>> -> memref<1024xi32, #tpu.memory_space<hbm>>
      tpu.wait_dma2 semaphore(%run_scoped3A : memref<!tpu.dma_semaphore, #tpu.memory_space<semaphore_mem>>) src(%dma_wait3A_285 : memref<1024xi32, #tpu.memory_space<hbm>>) dst(%arg6 : memref<1024xi32, #tpu.memory_space<vmem>>)
      tpu.yield
    }) : () -> ()
    %scan3A_14 = arith.constant 0 : i32
    %scan3A_15 = arith.constant 0 : i32
    %scan3A_16 = arith.constant 64 : i32
    %scan3A_17 = arith.addi %scan3A_15, %scan3A_16 : i32
    %scan3A_18 = arith.constant 1 : i32
    scf.for %scan3A_282 = %scan3A_15 to %scan3A_17 step %scan3A_18  : i32 {
      %mul3A_283 = arith.constant 16 : i32
      %mul3A_284 = arith.muli %scan3A_282, %mul3A_283 : i32
      %get3A = arith.index_cast %mul3A_284 : i32 to index
      %get3A_285 = tpu.vector_load %arg6[%get3A] {strides = array<i32>} : memref<1024xi32, #tpu.memory_space<vmem>>, vector<16xi32>,
      %get3A_286 = vector.shape_cast %get3A_285 : vector<16xi32> to vector<16xi32>
      %and3A_287 = arith.constant 2047 : i32
      %and3A_288 = vector.broadcast %and3A_287 : i32 to vector<16xi32>
      %and3A_289 = arith.andi %get3A_286, %and3A_288 : vector<16xi32>
      %sub3A_290 = arith.subi %get3A_286, %and3A_289 : vector<16xi32>
      %and3A_291 = arith.constant 511 : i32
      %and3A_292 = vector.broadcast %and3A_291 : i32 to vector<16xi32>
      %and3A_293 = arith.andi %and3A_289, %and3A_292 : vector<16xi32>
      %shift_left3A = arith.constant 2 : i32
      %shift_left3A_294 = vector.broadcast %shift_left3A : i32 to vector<16xi32>
      %shift_left3A_295 = arith.shli %and3A_293, %shift_left3A_294 : vector<16xi32>
      %add3A_296 = arith.addi %sub3A_290, %shift_left3A_295 : vector<16xi32>
      %shift_right_arithmetic3A = arith.constant 9 : i32
      %shift_right_arithmetic3A_297 = vector.broadcast %shift_right_arithmetic3A : i32 to vector<16xi32>
      %shift_right_arithmetic3A_298 = arith.shrsi %and3A_289, %shift_right_arithmetic3A_297 : vector<16xi32>
      %add3A_299 = arith.addi %add3A_296, %shift_right_arithmetic3A_298 : vector<16xi32>
      %mul3A_300 = arith.constant 16 : i32
      %mul3A_301 = arith.muli %scan3A_282, %mul3A_300 : i32
      %swap3A = arith.index_cast %mul3A_301 : i32 to index
      %swap3A_302 = tpu.vector_load %arg6[%swap3A] {strides = array<i32>} : memref<1024xi32, #tpu.memory_space<vmem>>, vector<16xi32>,
      %swap3A_303 = vector.shape_cast %swap3A_302 : vector<16xi32> to vector<16xi32>
      %swap3A_304 = vector.shape_cast %add3A_299 : vector<16xi32> to vector<16xi32>
      tpu.vector_store %arg6[%swap3A], %swap3A_304 {strides = array<i32>} : memref<1024xi32, #tpu.memory_space<vmem>>, vector<16xi32>,
    }
    %scan3A_19 = arith.constant 64 : i32
    %dma_start3A_20 = arith.constant 0 : i32
    %dma_start3A_21 = arith.constant 0 : i32
    %dma_start3A_22 = tpu.memref_slice %arg3[%dma_start3A_20, %dma_start3A_21] : memref<1001472x32xf32, #tpu.memory_space<hbm>> -> memref<1001472x32xf32, #tpu.memory_space<hbm>>
    tpu.enqueue_indirect_dma source(%dma_start3A_22 : memref<1001472x32xf32, #tpu.memory_space<hbm>>) target(%arg8 : memref<1024x32xf32, #tpu.memory_space<vmem>>) offsets(%arg6 : memref<1024xi32, #tpu.memory_space<vmem>>) semaphore(%arg10 : memref<!tpu.dma_semaphore, #tpu.memory_space<semaphore_mem>>)
    %scan3A_23 = arith.constant 0 : i32
    %scan3A_24 = arith.constant 0 : i32
    %scan3A_25 = arith.constant 50 : i32
    %scan3A_26 = arith.addi %scan3A_24, %scan3A_25 : i32
    %scan3A_27 = arith.constant 1 : i32
    scf.for %scan3A_282 = %scan3A_24 to %scan3A_26 step %scan3A_27  : i32 {
      %mul3A_283 = arith.constant 2 : i32
      %mul3A_284 = arith.muli %mul3A_283, %scan3A_282 : i32
      %add3A_285 = arith.constant 0 : i32
      %add3A_286 = arith.addi %mul3A_284, %add3A_285 : i32
      %mul3A_287 = arith.constant 1024 : i32
      %mul3A_288 = arith.muli %add3A_286, %mul3A_287 : i32
      %add3A_289 = arith.addi %mul3A_2, %mul3A_288 : i32
      %dma_wait3A_290 = arith.constant 0 : i32
      %dma_wait3A_291 = arith.constant 0 : i32
      %dma_wait3A_292 = tpu.memref_slice %arg3[%dma_wait3A_290, %dma_wait3A_291] : memref<1001472x32xf32, #tpu.memory_space<hbm>> -> memref<1001472x32xf32, #tpu.memory_space<hbm>>
      tpu.wait_indirect_dma semaphore(%arg9 : memref<!tpu.dma_semaphore, #tpu.memory_space<semaphore_mem>>) src(%dma_wait3A_292 : memref<1001472x32xf32, #tpu.memory_space<hbm>>) dst(%arg7 : memref<1024x32xf32, #tpu.memory_space<vmem>>)
      %jit3A_293 = arith.constant 16384 : i32
      %div3A_294 = arith.divsi %add3A_289, %jit3A_293 : i32
      %sign3A_295 = arith.constant 0 : i32
      %sign3A_296 = arith.cmpi sgt, %add3A_289, %sign3A_295 : i32
      %sign3A_297 = arith.extui %sign3A_296 : i1 to i32
      %sign3A_298 = arith.constant 0 : i32
      %sign3A_299 = arith.cmpi slt, %add3A_289, %sign3A_298 : i32
      %sign3A_300 = arith.extui %sign3A_299 : i1 to i32
      %sign3A_301 = arith.subi %sign3A_297, %sign3A_300 : i32
      %sign3A_302 = arith.constant 0 : i32
      %sign3A_303 = arith.cmpi sgt, %jit3A_293, %sign3A_302 : i32
      %sign3A_304 = arith.extui %sign3A_303 : i1 to i32
      %sign3A_305 = arith.constant 0 : i32
      %sign3A_306 = arith.cmpi slt, %jit3A_293, %sign3A_305 : i32
      %sign3A_307 = arith.extui %sign3A_306 : i1 to i32
      %sign3A_308 = arith.subi %sign3A_304, %sign3A_307 : i32
      %ne3A_309 = arith.cmpi ne, %sign3A_301, %sign3A_308 : i32
      %rem3A_310 = arith.remsi %add3A_289, %jit3A_293 : i32
      %ne3A_311 = arith.constant 0 : i32
      %ne3A_312 = arith.cmpi ne, %rem3A_310, %ne3A_311 : i32
      %and3A_313 = arith.andi %ne3A_309, %ne3A_312 : i1
      %sub3A_314 = arith.constant 1 : i32
      %sub3A_315 = arith.subi %div3A_294, %sub3A_314 : i32
      %select_n3A_316 = arith.select %and3A_313, %sub3A_315, %div3A_294 : i32
      %jit3A_317 = arith.constant 16384 : i32
      %eq3A_318 = arith.constant 0 : i32
      %eq3A_319 = arith.cmpi eq, %jit3A_317, %eq3A_318 : i32
      %jit3A_320 = arith.constant 1 : i32
      %select_n3A_321 = arith.select %eq3A_319, %jit3A_320, %jit3A_317 : i32
      %rem3A_322 = arith.remsi %add3A_289, %select_n3A_321 : i32
      %ne3A_323 = arith.constant 0 : i32
      %ne3A_324 = arith.cmpi ne, %rem3A_322, %ne3A_323 : i32
      %lt3A_325 = arith.constant 0 : i32
      %lt3A_326 = arith.cmpi slt, %rem3A_322, %lt3A_325 : i32
      %lt3A_327 = arith.constant 0 : i32
      %lt3A_328 = arith.cmpi slt, %select_n3A_321, %lt3A_327 : i32
      %ne3A_329 = arith.xori %lt3A_326, %lt3A_328 : i1
      %and3A_330 = arith.andi %ne3A_329, %ne3A_324 : i1
      %add3A_331 = arith.addi %rem3A_322, %select_n3A_321 : i32
      %select_n3A_332 = arith.select %and3A_330, %add3A_331, %rem3A_322 : i32
      %jit3A_333 = arith.constant 16384 : i32
      %div3A_334 = arith.divsi %select_n3A_332, %jit3A_333 : i32
      %sign3A_335 = arith.constant 0 : i32
      %sign3A_336 = arith.cmpi sgt, %select_n3A_332, %sign3A_335 : i32
      %sign3A_337 = arith.extui %sign3A_336 : i1 to i32
      %sign3A_338 = arith.constant 0 : i32
      %sign3A_339 = arith.cmpi slt, %select_n3A_332, %sign3A_338 : i32
      %sign3A_340 = arith.extui %sign3A_339 : i1 to i32
      %sign3A_341 = arith.subi %sign3A_337, %sign3A_340 : i32
      %sign3A_342 = arith.constant 0 : i32
      %sign3A_343 = arith.cmpi sgt, %jit3A_333, %sign3A_342 : i32
      %sign3A_344 = arith.extui %sign3A_343 : i1 to i32
      %sign3A_345 = arith.constant 0 : i32
      %sign3A_346 = arith.cmpi slt, %jit3A_333, %sign3A_345 : i32
      %sign3A_347 = arith.extui %sign3A_346 : i1 to i32
      %sign3A_348 = arith.subi %sign3A_344, %sign3A_347 : i32
      %ne3A_349 = arith.cmpi ne, %sign3A_341, %sign3A_348 : i32
      %rem3A_350 = arith.remsi %select_n3A_332, %jit3A_333 : i32
      %ne3A_351 = arith.constant 0 : i32
      %ne3A_352 = arith.cmpi ne, %rem3A_350, %ne3A_351 : i32
      %and3A_353 = arith.andi %ne3A_349, %ne3A_352 : i1
      %sub3A_354 = arith.constant 1 : i32
      %sub3A_355 = arith.subi %div3A_334, %sub3A_354 : i32
      %select_n3A_356 = arith.select %and3A_353, %sub3A_355, %div3A_334 : i32
      %jit3A_357 = arith.constant 16384 : i32
      %eq3A_358 = arith.constant 0 : i32
      %eq3A_359 = arith.cmpi eq, %jit3A_357, %eq3A_358 : i32
      %jit3A_360 = arith.constant 1 : i32
      %select_n3A_361 = arith.select %eq3A_359, %jit3A_360, %jit3A_357 : i32
      %rem3A_362 = arith.remsi %select_n3A_332, %select_n3A_361 : i32
      %ne3A_363 = arith.constant 0 : i32
      %ne3A_364 = arith.cmpi ne, %rem3A_362, %ne3A_363 : i32
      %lt3A_365 = arith.constant 0 : i32
      %lt3A_366 = arith.cmpi slt, %rem3A_362, %lt3A_365 : i32
      %lt3A_367 = arith.constant 0 : i32
      %lt3A_368 = arith.cmpi slt, %select_n3A_361, %lt3A_367 : i32
      %ne3A_369 = arith.xori %lt3A_366, %lt3A_368 : i1
      %and3A_370 = arith.andi %ne3A_369, %ne3A_364 : i1
      %add3A_371 = arith.addi %rem3A_362, %select_n3A_361 : i32
      %select_n3A_372 = arith.select %and3A_370, %add3A_371, %rem3A_362 : i32
      %jit3A_373 = arith.constant 4096 : i32
      %div3A_374 = arith.divsi %select_n3A_372, %jit3A_373 : i32
      %sign3A_375 = arith.constant 0 : i32
      %sign3A_376 = arith.cmpi sgt, %select_n3A_372, %sign3A_375 : i32
      %sign3A_377 = arith.extui %sign3A_376 : i1 to i32
      %sign3A_378 = arith.constant 0 : i32
      %sign3A_379 = arith.cmpi slt, %select_n3A_372, %sign3A_378 : i32
      %sign3A_380 = arith.extui %sign3A_379 : i1 to i32
      %sign3A_381 = arith.subi %sign3A_377, %sign3A_380 : i32
      %sign3A_382 = arith.constant 0 : i32
      %sign3A_383 = arith.cmpi sgt, %jit3A_373, %sign3A_382 : i32
      %sign3A_384 = arith.extui %sign3A_383 : i1 to i32
      %sign3A_385 = arith.constant 0 : i32
      %sign3A_386 = arith.cmpi slt, %jit3A_373, %sign3A_385 : i32
      %sign3A_387 = arith.extui %sign3A_386 : i1 to i32
      %sign3A_388 = arith.subi %sign3A_384, %sign3A_387 : i32
      %ne3A_389 = arith.cmpi ne, %sign3A_381, %sign3A_388 : i32
      %rem3A_390 = arith.remsi %select_n3A_372, %jit3A_373 : i32
      %ne3A_391 = arith.constant 0 : i32
      %ne3A_392 = arith.cmpi ne, %rem3A_390, %ne3A_391 : i32
      %and3A_393 = arith.andi %ne3A_389, %ne3A_392 : i1
      %sub3A_394 = arith.constant 1 : i32
      %sub3A_395 = arith.subi %div3A_374, %sub3A_394 : i32
      %select_n3A_396 = arith.select %and3A_393, %sub3A_395, %div3A_374 : i32
      %jit3A_397 = arith.constant 4096 : i32
      %eq3A_398 = arith.constant 0 : i32
      %eq3A_399 = arith.cmpi eq, %jit3A_397, %eq3A_398 : i32
      %jit3A_400 = arith.constant 1 : i32
      %select_n3A_401 = arith.select %eq3A_399, %jit3A_400, %jit3A_397 : i32
      %rem3A_402 = arith.remsi %select_n3A_372, %select_n3A_401 : i32
      %ne3A_403 = arith.constant 0 : i32
      %ne3A_404 = arith.cmpi ne, %rem3A_402, %ne3A_403 : i32
      %lt3A_405 = arith.constant 0 : i32
      %lt3A_406 = arith.cmpi slt, %rem3A_402, %lt3A_405 : i32
      %lt3A_407 = arith.constant 0 : i32
      %lt3A_408 = arith.cmpi slt, %select_n3A_401, %lt3A_407 : i32
      %ne3A_409 = arith.xori %lt3A_406, %lt3A_408 : i1
      %and3A_410 = arith.andi %ne3A_409, %ne3A_404 : i1
      %add3A_411 = arith.addi %rem3A_402, %select_n3A_401 : i32
      %select_n3A_412 = arith.select %and3A_410, %add3A_411, %rem3A_402 : i32
      %mul3A_413 = arith.constant 4096 : i32
      %mul3A_414 = arith.muli %select_n3A_316, %mul3A_413 : i32
      %mul3A_415 = arith.constant 4096 : i32
      %mul3A_416 = arith.muli %select_n3A_356, %mul3A_415 : i32
      %add3A_417 = arith.addi %mul3A_414, %mul3A_416 : i32
      %add3A_418 = arith.addi %add3A_417, %select_n3A_412 : i32
      %mul3A_419 = arith.constant 32 : i32
      %mul3A_420 = arith.muli %select_n3A_396, %mul3A_419 : i32
      %dma_start3A_421 = tpu.memref_slice %arg4[%add3A_418, %mul3A_420] : memref<819200x128xf32, #tpu.memory_space<hbm>> -> memref<1024x32xf32, #tpu.memory_space<hbm>>
      %dma_start3A_422 = tpu.memref_slice %arg4[%add3A_418, %mul3A_420] : memref<819200x128xf32, #tpu.memory_space<hbm>> -> memref<1024x32xf32, #tpu.memory_space<hbm>>
      tpu.enqueue_dma source(%arg7 : memref<1024x32xf32, #tpu.memory_space<vmem>>) target(%dma_start3A_422 : memref<1024x32xf32, #tpu.memory_space<hbm>>) target_semaphore(%arg11 : memref<!tpu.dma_semaphore, #tpu.memory_space<semaphore_mem>>)
      %add3A_423 = arith.constant 2 : i32
      %add3A_424 = arith.addi %add3A_286, %add3A_423 : i32
      %lt3A_425 = arith.constant 100 : i32
      %lt3A_426 = arith.cmpi slt, %add3A_424, %lt3A_425 : i32
      %convert_element_type3A = arith.extui %lt3A_426 : i1 to i32
      %cond3A = arith.constant 0 : i32
      %cond3A_427 = arith.cmpi ne, %convert_element_type3A, %cond3A : i32
      scf.if %cond3A_427 {
        %add3A_575 = arith.constant 2048 : i32
        %add3A_576 = arith.addi %add3A_289, %add3A_575 : i32
        "tpu.region"() ({
          %run_scoped3A = tpu.sem_alloc : memref<!tpu.dma_semaphore, #tpu.memory_space<semaphore_mem>>
          %dma_start3A_588 = tpu.memref_slice %arg2[%add3A_576] : memref<3276800xi32, #tpu.memory_space<hbm>> -> memref<1024xi32, #tpu.memory_space<hbm>>
          %dma_start3A_589 = tpu.memref_slice %arg2[%add3A_576] : memref<3276800xi32, #tpu.memory_space<hbm>> -> memref<1024xi32, #tpu.memory_space<hbm>>
          tpu.enqueue_dma source(%dma_start3A_589 : memref<1024xi32, #tpu.memory_space<hbm>>) target(%arg5 : memref<1024xi32, #tpu.memory_space<vmem>>) target_semaphore(%run_scoped3A : memref<!tpu.dma_semaphore, #tpu.memory_space<semaphore_mem>>)
          %dma_wait3A_590 = tpu.memref_slice %arg2[%add3A_576] : memref<3276800xi32, #tpu.memory_space<hbm>> -> memref<1024xi32, #tpu.memory_space<hbm>>
          %dma_wait3A_591 = tpu.memref_slice %arg2[%add3A_576] : memref<3276800xi32, #tpu.memory_space<hbm>> -> memref<1024xi32, #tpu.memory_space<hbm>>
          tpu.wait_dma2 semaphore(%run_scoped3A : memref<!tpu.dma_semaphore, #tpu.memory_space<semaphore_mem>>) src(%dma_wait3A_591 : memref<1024xi32, #tpu.memory_space<hbm>>) dst(%arg5 : memref<1024xi32, #tpu.memory_space<vmem>>)
          tpu.yield
        }) : () -> ()
        %scan3A_577 = arith.constant 0 : i32
        %scan3A_578 = arith.constant 0 : i32
        %scan3A_579 = arith.constant 64 : i32
        %scan3A_580 = arith.addi %scan3A_578, %scan3A_579 : i32
        %scan3A_581 = arith.constant 1 : i32
        scf.for %scan3A_588 = %scan3A_578 to %scan3A_580 step %scan3A_581  : i32 {
          %mul3A_589 = arith.constant 16 : i32
          %mul3A_590 = arith.muli %scan3A_588, %mul3A_589 : i32
          %get3A = arith.index_cast %mul3A_590 : i32 to index
          %get3A_591 = tpu.vector_load %arg5[%get3A] {strides = array<i32>} : memref<1024xi32, #tpu.memory_space<vmem>>, vector<16xi32>,
          %get3A_592 = vector.shape_cast %get3A_591 : vector<16xi32> to vector<16xi32>
          %and3A_593 = arith.constant 2047 : i32
          %and3A_594 = vector.broadcast %and3A_593 : i32 to vector<16xi32>
          %and3A_595 = arith.andi %get3A_592, %and3A_594 : vector<16xi32>
          %sub3A_596 = arith.subi %get3A_592, %and3A_595 : vector<16xi32>
          %and3A_597 = arith.constant 511 : i32
          %and3A_598 = vector.broadcast %and3A_597 : i32 to vector<16xi32>
          %and3A_599 = arith.andi %and3A_595, %and3A_598 : vector<16xi32>
          %shift_left3A = arith.constant 2 : i32
          %shift_left3A_600 = vector.broadcast %shift_left3A : i32 to vector<16xi32>
          %shift_left3A_601 = arith.shli %and3A_599, %shift_left3A_600 : vector<16xi32>
          %add3A_602 = arith.addi %sub3A_596, %shift_left3A_601 : vector<16xi32>
          %shift_right_arithmetic3A = arith.constant 9 : i32
          %shift_right_arithmetic3A_603 = vector.broadcast %shift_right_arithmetic3A : i32 to vector<16xi32>
          %shift_right_arithmetic3A_604 = arith.shrsi %and3A_595, %shift_right_arithmetic3A_603 : vector<16xi32>
          %add3A_605 = arith.addi %add3A_602, %shift_right_arithmetic3A_604 : vector<16xi32>
          %mul3A_606 = arith.constant 16 : i32
          %mul3A_607 = arith.muli %scan3A_588, %mul3A_606 : i32
          %swap3A = arith.index_cast %mul3A_607 : i32 to index
          %swap3A_608 = tpu.vector_load %arg5[%swap3A] {strides = array<i32>} : memref<1024xi32, #tpu.memory_space<vmem>>, vector<16xi32>,
          %swap3A_609 = vector.shape_cast %swap3A_608 : vector<16xi32> to vector<16xi32>
          %swap3A_610 = vector.shape_cast %add3A_605 : vector<16xi32> to vector<16xi32>
          tpu.vector_store %arg5[%swap3A], %swap3A_610 {strides = array<i32>} : memref<1024xi32, #tpu.memory_space<vmem>>, vector<16xi32>,
        }
        %scan3A_582 = arith.constant 64 : i32
        %dma_wait3A_583 = tpu.memref_slice %arg4[%add3A_418, %mul3A_420] : memref<819200x128xf32, #tpu.memory_space<hbm>> -> memref<1024x32xf32, #tpu.memory_space<hbm>>
        %dma_wait3A_584 = tpu.memref_slice %arg4[%add3A_418, %mul3A_420] : memref<819200x128xf32, #tpu.memory_space<hbm>> -> memref<1024x32xf32, #tpu.memory_space<hbm>>
        tpu.wait_dma2 semaphore(%arg11 : memref<!tpu.dma_semaphore, #tpu.memory_space<semaphore_mem>>) src(%arg7 : memref<1024x32xf32, #tpu.memory_space<vmem>>) dst(%dma_wait3A_584 : memref<1024x32xf32, #tpu.memory_space<hbm>>)
        %dma_start3A_585 = arith.constant 0 : i32
        %dma_start3A_586 = arith.constant 0 : i32
        %dma_start3A_587 = tpu.memref_slice %arg3[%dma_start3A_585, %dma_start3A_586] : memref<1001472x32xf32, #tpu.memory_space<hbm>> -> memref<1001472x32xf32, #tpu.memory_space<hbm>>
        tpu.enqueue_indirect_dma source(%dma_start3A_587 : memref<1001472x32xf32, #tpu.memory_space<hbm>>) target(%arg7 : memref<1024x32xf32, #tpu.memory_space<vmem>>) offsets(%arg5 : memref<1024xi32, #tpu.memory_space<vmem>>) semaphore(%arg9 : memref<!tpu.dma_semaphore, #tpu.memory_space<semaphore_mem>>)
      } else {
      }
      %mul3A_428 = arith.constant 2 : i32
      %mul3A_429 = arith.muli %mul3A_428, %scan3A_282 : i32
      %add3A_430 = arith.constant 1 : i32
      %add3A_431 = arith.addi %mul3A_429, %add3A_430 : i32
      %mul3A_432 = arith.constant 1024 : i32
      %mul3A_433 = arith.muli %add3A_431, %mul3A_432 : i32
      %add3A_434 = arith.addi %mul3A_2, %mul3A_433 : i32
      %dma_wait3A_435 = arith.constant 0 : i32
      %dma_wait3A_436 = arith.constant 0 : i32
      %dma_wait3A_437 = tpu.memref_slice %arg3[%dma_wait3A_435, %dma_wait3A_436] : memref<1001472x32xf32, #tpu.memory_space<hbm>> -> memref<1001472x32xf32, #tpu.memory_space<hbm>>
      tpu.wait_indirect_dma semaphore(%arg10 : memref<!tpu.dma_semaphore, #tpu.memory_space<semaphore_mem>>) src(%dma_wait3A_437 : memref<1001472x32xf32, #tpu.memory_space<hbm>>) dst(%arg8 : memref<1024x32xf32, #tpu.memory_space<vmem>>)
      %jit3A_438 = arith.constant 16384 : i32
      %div3A_439 = arith.divsi %add3A_434, %jit3A_438 : i32
      %sign3A_440 = arith.constant 0 : i32
      %sign3A_441 = arith.cmpi sgt, %add3A_434, %sign3A_440 : i32
      %sign3A_442 = arith.extui %sign3A_441 : i1 to i32
      %sign3A_443 = arith.constant 0 : i32
      %sign3A_444 = arith.cmpi slt, %add3A_434, %sign3A_443 : i32
      %sign3A_445 = arith.extui %sign3A_444 : i1 to i32
      %sign3A_446 = arith.subi %sign3A_442, %sign3A_445 : i32
      %sign3A_447 = arith.constant 0 : i32
      %sign3A_448 = arith.cmpi sgt, %jit3A_438, %sign3A_447 : i32
      %sign3A_449 = arith.extui %sign3A_448 : i1 to i32
      %sign3A_450 = arith.constant 0 : i32
      %sign3A_451 = arith.cmpi slt, %jit3A_438, %sign3A_450 : i32
      %sign3A_452 = arith.extui %sign3A_451 : i1 to i32
      %sign3A_453 = arith.subi %sign3A_449, %sign3A_452 : i32
      %ne3A_454 = arith.cmpi ne, %sign3A_446, %sign3A_453 : i32
      %rem3A_455 = arith.remsi %add3A_434, %jit3A_438 : i32
      %ne3A_456 = arith.constant 0 : i32
      %ne3A_457 = arith.cmpi ne, %rem3A_455, %ne3A_456 : i32
      %and3A_458 = arith.andi %ne3A_454, %ne3A_457 : i1
      %sub3A_459 = arith.constant 1 : i32
      %sub3A_460 = arith.subi %div3A_439, %sub3A_459 : i32
      %select_n3A_461 = arith.select %and3A_458, %sub3A_460, %div3A_439 : i32
      %jit3A_462 = arith.constant 16384 : i32
      %eq3A_463 = arith.constant 0 : i32
      %eq3A_464 = arith.cmpi eq, %jit3A_462, %eq3A_463 : i32
      %jit3A_465 = arith.constant 1 : i32
      %select_n3A_466 = arith.select %eq3A_464, %jit3A_465, %jit3A_462 : i32
      %rem3A_467 = arith.remsi %add3A_434, %select_n3A_466 : i32
      %ne3A_468 = arith.constant 0 : i32
      %ne3A_469 = arith.cmpi ne, %rem3A_467, %ne3A_468 : i32
      %lt3A_470 = arith.constant 0 : i32
      %lt3A_471 = arith.cmpi slt, %rem3A_467, %lt3A_470 : i32
      %lt3A_472 = arith.constant 0 : i32
      %lt3A_473 = arith.cmpi slt, %select_n3A_466, %lt3A_472 : i32
      %ne3A_474 = arith.xori %lt3A_471, %lt3A_473 : i1
      %and3A_475 = arith.andi %ne3A_474, %ne3A_469 : i1
      %add3A_476 = arith.addi %rem3A_467, %select_n3A_466 : i32
      %select_n3A_477 = arith.select %and3A_475, %add3A_476, %rem3A_467 : i32
      %jit3A_478 = arith.constant 16384 : i32
      %div3A_479 = arith.divsi %select_n3A_477, %jit3A_478 : i32
      %sign3A_480 = arith.constant 0 : i32
      %sign3A_481 = arith.cmpi sgt, %select_n3A_477, %sign3A_480 : i32
      %sign3A_482 = arith.extui %sign3A_481 : i1 to i32
      %sign3A_483 = arith.constant 0 : i32
      %sign3A_484 = arith.cmpi slt, %select_n3A_477, %sign3A_483 : i32
      %sign3A_485 = arith.extui %sign3A_484 : i1 to i32
      %sign3A_486 = arith.subi %sign3A_482, %sign3A_485 : i32
      %sign3A_487 = arith.constant 0 : i32
      %sign3A_488 = arith.cmpi sgt, %jit3A_478, %sign3A_487 : i32
      %sign3A_489 = arith.extui %sign3A_488 : i1 to i32
      %sign3A_490 = arith.constant 0 : i32
      %sign3A_491 = arith.cmpi slt, %jit3A_478, %sign3A_490 : i32
      %sign3A_492 = arith.extui %sign3A_491 : i1 to i32
      %sign3A_493 = arith.subi %sign3A_489, %sign3A_492 : i32
      %ne3A_494 = arith.cmpi ne, %sign3A_486, %sign3A_493 : i32
      %rem3A_495 = arith.remsi %select_n3A_477, %jit3A_478 : i32
      %ne3A_496 = arith.constant 0 : i32
      %ne3A_497 = arith.cmpi ne, %rem3A_495, %ne3A_496 : i32
      %and3A_498 = arith.andi %ne3A_494, %ne3A_497 : i1
      %sub3A_499 = arith.constant 1 : i32
      %sub3A_500 = arith.subi %div3A_479, %sub3A_499 : i32
      %select_n3A_501 = arith.select %and3A_498, %sub3A_500, %div3A_479 : i32
      %jit3A_502 = arith.constant 16384 : i32
      %eq3A_503 = arith.constant 0 : i32
      %eq3A_504 = arith.cmpi eq, %jit3A_502, %eq3A_503 : i32
      %jit3A_505 = arith.constant 1 : i32
      %select_n3A_506 = arith.select %eq3A_504, %jit3A_505, %jit3A_502 : i32
      %rem3A_507 = arith.remsi %select_n3A_477, %select_n3A_506 : i32
      %ne3A_508 = arith.constant 0 : i32
      %ne3A_509 = arith.cmpi ne, %rem3A_507, %ne3A_508 : i32
      %lt3A_510 = arith.constant 0 : i32
      %lt3A_511 = arith.cmpi slt, %rem3A_507, %lt3A_510 : i32
      %lt3A_512 = arith.constant 0 : i32
      %lt3A_513 = arith.cmpi slt, %select_n3A_506, %lt3A_512 : i32
      %ne3A_514 = arith.xori %lt3A_511, %lt3A_513 : i1
      %and3A_515 = arith.andi %ne3A_514, %ne3A_509 : i1
      %add3A_516 = arith.addi %rem3A_507, %select_n3A_506 : i32
      %select_n3A_517 = arith.select %and3A_515, %add3A_516, %rem3A_507 : i32
      %jit3A_518 = arith.constant 4096 : i32
      %div3A_519 = arith.divsi %select_n3A_517, %jit3A_518 : i32
      %sign3A_520 = arith.constant 0 : i32
      %sign3A_521 = arith.cmpi sgt, %select_n3A_517, %sign3A_520 : i32
      %sign3A_522 = arith.extui %sign3A_521 : i1 to i32
      %sign3A_523 = arith.constant 0 : i32
      %sign3A_524 = arith.cmpi slt, %select_n3A_517, %sign3A_523 : i32
      %sign3A_525 = arith.extui %sign3A_524 : i1 to i32
      %sign3A_526 = arith.subi %sign3A_522, %sign3A_525 : i32
      %sign3A_527 = arith.constant 0 : i32
      %sign3A_528 = arith.cmpi sgt, %jit3A_518, %sign3A_527 : i32
      %sign3A_529 = arith.extui %sign3A_528 : i1 to i32
      %sign3A_530 = arith.constant 0 : i32
      %sign3A_531 = arith.cmpi slt, %jit3A_518, %sign3A_530 : i32
      %sign3A_532 = arith.extui %sign3A_531 : i1 to i32
      %sign3A_533 = arith.subi %sign3A_529, %sign3A_532 : i32
      %ne3A_534 = arith.cmpi ne, %sign3A_526, %sign3A_533 : i32
      %rem3A_535 = arith.remsi %select_n3A_517, %jit3A_518 : i32
      %ne3A_536 = arith.constant 0 : i32
      %ne3A_537 = arith.cmpi ne, %rem3A_535, %ne3A_536 : i32
      %and3A_538 = arith.andi %ne3A_534, %ne3A_537 : i1
      %sub3A_539 = arith.constant 1 : i32
      %sub3A_540 = arith.subi %div3A_519, %sub3A_539 : i32
      %select_n3A_541 = arith.select %and3A_538, %sub3A_540, %div3A_519 : i32
      %jit3A_542 = arith.constant 4096 : i32
      %eq3A_543 = arith.constant 0 : i32
      %eq3A_544 = arith.cmpi eq, %jit3A_542, %eq3A_543 : i32
      %jit3A_545 = arith.constant 1 : i32
      %select_n3A_546 = arith.select %eq3A_544, %jit3A_545, %jit3A_542 : i32
      %rem3A_547 = arith.remsi %select_n3A_517, %select_n3A_546 : i32
      %ne3A_548 = arith.constant 0 : i32
      %ne3A_549 = arith.cmpi ne, %rem3A_547, %ne3A_548 : i32
      %lt3A_550 = arith.constant 0 : i32
      %lt3A_551 = arith.cmpi slt, %rem3A_547, %lt3A_550 : i32
      %lt3A_552 = arith.constant 0 : i32
      %lt3A_553 = arith.cmpi slt, %select_n3A_546, %lt3A_552 : i32
      %ne3A_554 = arith.xori %lt3A_551, %lt3A_553 : i1
      %and3A_555 = arith.andi %ne3A_554, %ne3A_549 : i1
      %add3A_556 = arith.addi %rem3A_547, %select_n3A_546 : i32
      %select_n3A_557 = arith.select %and3A_555, %add3A_556, %rem3A_547 : i32
      %mul3A_558 = arith.constant 4096 : i32
      %mul3A_559 = arith.muli %select_n3A_461, %mul3A_558 : i32
      %mul3A_560 = arith.constant 4096 : i32
      %mul3A_561 = arith.muli %select_n3A_501, %mul3A_560 : i32
      %add3A_562 = arith.addi %mul3A_559, %mul3A_561 : i32
      %add3A_563 = arith.addi %add3A_562, %select_n3A_557 : i32
      %mul3A_564 = arith.constant 32 : i32
      %mul3A_565 = arith.muli %select_n3A_541, %mul3A_564 : i32
      %dma_start3A_566 = tpu.memref_slice %arg4[%add3A_563, %mul3A_565] : memref<819200x128xf32, #tpu.memory_space<hbm>> -> memref<1024x32xf32, #tpu.memory_space<hbm>>
      %dma_start3A_567 = tpu.memref_slice %arg4[%add3A_563, %mul3A_565] : memref<819200x128xf32, #tpu.memory_space<hbm>> -> memref<1024x32xf32, #tpu.memory_space<hbm>>
      tpu.enqueue_dma source(%arg8 : memref<1024x32xf32, #tpu.memory_space<vmem>>) target(%dma_start3A_567 : memref<1024x32xf32, #tpu.memory_space<hbm>>) target_semaphore(%arg12 : memref<!tpu.dma_semaphore, #tpu.memory_space<semaphore_mem>>)
      %add3A_568 = arith.constant 2 : i32
      %add3A_569 = arith.addi %add3A_431, %add3A_568 : i32
      %lt3A_570 = arith.constant 100 : i32
      %lt3A_571 = arith.cmpi slt, %add3A_569, %lt3A_570 : i32
      %convert_element_type3A_572 = arith.extui %lt3A_571 : i1 to i32
      %cond3A_573 = arith.constant 0 : i32
      %cond3A_574 = arith.cmpi ne, %convert_element_type3A_572, %cond3A_573 : i32
      scf.if %cond3A_574 {
        %add3A_575 = arith.constant 2048 : i32
        %add3A_576 = arith.addi %add3A_434, %add3A_575 : i32
        "tpu.region"() ({
          %run_scoped3A = tpu.sem_alloc : memref<!tpu.dma_semaphore, #tpu.memory_space<semaphore_mem>>
          %dma_start3A_588 = tpu.memref_slice %arg2[%add3A_576] : memref<3276800xi32, #tpu.memory_space<hbm>> -> memref<1024xi32, #tpu.memory_space<hbm>>
          %dma_start3A_589 = tpu.memref_slice %arg2[%add3A_576] : memref<3276800xi32, #tpu.memory_space<hbm>> -> memref<1024xi32, #tpu.memory_space<hbm>>
          tpu.enqueue_dma source(%dma_start3A_589 : memref<1024xi32, #tpu.memory_space<hbm>>) target(%arg6 : memref<1024xi32, #tpu.memory_space<vmem>>) target_semaphore(%run_scoped3A : memref<!tpu.dma_semaphore, #tpu.memory_space<semaphore_mem>>)
          %dma_wait3A_590 = tpu.memref_slice %arg2[%add3A_576] : memref<3276800xi32, #tpu.memory_space<hbm>> -> memref<1024xi32, #tpu.memory_space<hbm>>
          %dma_wait3A_591 = tpu.memref_slice %arg2[%add3A_576] : memref<3276800xi32, #tpu.memory_space<hbm>> -> memref<1024xi32, #tpu.memory_space<hbm>>
          tpu.wait_dma2 semaphore(%run_scoped3A : memref<!tpu.dma_semaphore, #tpu.memory_space<semaphore_mem>>) src(%dma_wait3A_591 : memref<1024xi32, #tpu.memory_space<hbm>>) dst(%arg6 : memref<1024xi32, #tpu.memory_space<vmem>>)
          tpu.yield
        }) : () -> ()
        %scan3A_577 = arith.constant 0 : i32
        %scan3A_578 = arith.constant 0 : i32
        %scan3A_579 = arith.constant 64 : i32
        %scan3A_580 = arith.addi %scan3A_578, %scan3A_579 : i32
        %scan3A_581 = arith.constant 1 : i32
        scf.for %scan3A_588 = %scan3A_578 to %scan3A_580 step %scan3A_581  : i32 {
          %mul3A_589 = arith.constant 16 : i32
          %mul3A_590 = arith.muli %scan3A_588, %mul3A_589 : i32
          %get3A = arith.index_cast %mul3A_590 : i32 to index
          %get3A_591 = tpu.vector_load %arg6[%get3A] {strides = array<i32>} : memref<1024xi32, #tpu.memory_space<vmem>>, vector<16xi32>,
          %get3A_592 = vector.shape_cast %get3A_591 : vector<16xi32> to vector<16xi32>
          %and3A_593 = arith.constant 2047 : i32
          %and3A_594 = vector.broadcast %and3A_593 : i32 to vector<16xi32>
          %and3A_595 = arith.andi %get3A_592, %and3A_594 : vector<16xi32>
          %sub3A_596 = arith.subi %get3A_592, %and3A_595 : vector<16xi32>
          %and3A_597 = arith.constant 511 : i32
          %and3A_598 = vector.broadcast %and3A_597 : i32 to vector<16xi32>
          %and3A_599 = arith.andi %and3A_595, %and3A_598 : vector<16xi32>
          %shift_left3A = arith.constant 2 : i32
          %shift_left3A_600 = vector.broadcast %shift_left3A : i32 to vector<16xi32>
          %shift_left3A_601 = arith.shli %and3A_599, %shift_left3A_600 : vector<16xi32>
          %add3A_602 = arith.addi %sub3A_596, %shift_left3A_601 : vector<16xi32>
          %shift_right_arithmetic3A = arith.constant 9 : i32
          %shift_right_arithmetic3A_603 = vector.broadcast %shift_right_arithmetic3A : i32 to vector<16xi32>
          %shift_right_arithmetic3A_604 = arith.shrsi %and3A_595, %shift_right_arithmetic3A_603 : vector<16xi32>
          %add3A_605 = arith.addi %add3A_602, %shift_right_arithmetic3A_604 : vector<16xi32>
          %mul3A_606 = arith.constant 16 : i32
          %mul3A_607 = arith.muli %scan3A_588, %mul3A_606 : i32
          %swap3A = arith.index_cast %mul3A_607 : i32 to index
          %swap3A_608 = tpu.vector_load %arg6[%swap3A] {strides = array<i32>} : memref<1024xi32, #tpu.memory_space<vmem>>, vector<16xi32>,
          %swap3A_609 = vector.shape_cast %swap3A_608 : vector<16xi32> to vector<16xi32>
          %swap3A_610 = vector.shape_cast %add3A_605 : vector<16xi32> to vector<16xi32>
          tpu.vector_store %arg6[%swap3A], %swap3A_610 {strides = array<i32>} : memref<1024xi32, #tpu.memory_space<vmem>>, vector<16xi32>,
        }
        %scan3A_582 = arith.constant 64 : i32
        %dma_wait3A_583 = tpu.memref_slice %arg4[%add3A_563, %mul3A_565] : memref<819200x128xf32, #tpu.memory_space<hbm>> -> memref<1024x32xf32, #tpu.memory_space<hbm>>
        %dma_wait3A_584 = tpu.memref_slice %arg4[%add3A_563, %mul3A_565] : memref<819200x128xf32, #tpu.memory_space<hbm>> -> memref<1024x32xf32, #tpu.memory_space<hbm>>
        tpu.wait_dma2 semaphore(%arg12 : memref<!tpu.dma_semaphore, #tpu.memory_space<semaphore_mem>>) src(%arg8 : memref<1024x32xf32, #tpu.memory_space<vmem>>) dst(%dma_wait3A_584 : memref<1024x32xf32, #tpu.memory_space<hbm>>)
        %dma_start3A_585 = arith.constant 0 : i32
        %dma_start3A_586 = arith.constant 0 : i32
        %dma_start3A_587 = tpu.memref_slice %arg3[%dma_start3A_585, %dma_start3A_586] : memref<1001472x32xf32, #tpu.memory_space<hbm>> -> memref<1001472x32xf32, #tpu.memory_space<hbm>>
        tpu.enqueue_indirect_dma source(%dma_start3A_587 : memref<1001472x32xf32, #tpu.memory_space<hbm>>) target(%arg8 : memref<1024x32xf32, #tpu.memory_space<vmem>>) offsets(%arg6 : memref<1024xi32, #tpu.memory_space<vmem>>) semaphore(%arg10 : memref<!tpu.dma_semaphore, #tpu.memory_space<semaphore_mem>>)
      } else {
      }
    }
    %scan3A_28 = arith.constant 50 : i32
    %add3A_29 = arith.constant 100352 : i32
    %add3A_30 = arith.addi %mul3A_2, %add3A_29 : i32
    %jit3A = arith.constant 16384 : i32
    %div3A = arith.divsi %add3A_30, %jit3A : i32
    %sign3A = arith.constant 0 : i32
    %sign3A_31 = arith.cmpi sgt, %add3A_30, %sign3A : i32
    %sign3A_32 = arith.extui %sign3A_31 : i1 to i32
    %sign3A_33 = arith.constant 0 : i32
    %sign3A_34 = arith.cmpi slt, %add3A_30, %sign3A_33 : i32
    %sign3A_35 = arith.extui %sign3A_34 : i1 to i32
    %sign3A_36 = arith.subi %sign3A_32, %sign3A_35 : i32
    %sign3A_37 = arith.constant 0 : i32
    %sign3A_38 = arith.cmpi sgt, %jit3A, %sign3A_37 : i32
    %sign3A_39 = arith.extui %sign3A_38 : i1 to i32
    %sign3A_40 = arith.constant 0 : i32
    %sign3A_41 = arith.cmpi slt, %jit3A, %sign3A_40 : i32
    %sign3A_42 = arith.extui %sign3A_41 : i1 to i32
    %sign3A_43 = arith.subi %sign3A_39, %sign3A_42 : i32
    %ne3A = arith.cmpi ne, %sign3A_36, %sign3A_43 : i32
    %rem3A = arith.remsi %add3A_30, %jit3A : i32
    %ne3A_44 = arith.constant 0 : i32
    %ne3A_45 = arith.cmpi ne, %rem3A, %ne3A_44 : i32
    %and3A = arith.andi %ne3A, %ne3A_45 : i1
    %sub3A = arith.constant 1 : i32
    %sub3A_46 = arith.subi %div3A, %sub3A : i32
    %select_n3A = arith.select %and3A, %sub3A_46, %div3A : i32
    %jit3A_47 = arith.constant 16384 : i32
    %eq3A = arith.constant 0 : i32
    %eq3A_48 = arith.cmpi eq, %jit3A_47, %eq3A : i32
    %jit3A_49 = arith.constant 1 : i32
    %select_n3A_50 = arith.select %eq3A_48, %jit3A_49, %jit3A_47 : i32
    %rem3A_51 = arith.remsi %add3A_30, %select_n3A_50 : i32
    %ne3A_52 = arith.constant 0 : i32
    %ne3A_53 = arith.cmpi ne, %rem3A_51, %ne3A_52 : i32
    %lt3A = arith.constant 0 : i32
    %lt3A_54 = arith.cmpi slt, %rem3A_51, %lt3A : i32
    %lt3A_55 = arith.constant 0 : i32
    %lt3A_56 = arith.cmpi slt, %select_n3A_50, %lt3A_55 : i32
    %ne3A_57 = arith.xori %lt3A_54, %lt3A_56 : i1
    %and3A_58 = arith.andi %ne3A_57, %ne3A_53 : i1
    %add3A_59 = arith.addi %rem3A_51, %select_n3A_50 : i32
    %select_n3A_60 = arith.select %and3A_58, %add3A_59, %rem3A_51 : i32
    %jit3A_61 = arith.constant 16384 : i32
    %div3A_62 = arith.divsi %select_n3A_60, %jit3A_61 : i32
    %sign3A_63 = arith.constant 0 : i32
    %sign3A_64 = arith.cmpi sgt, %select_n3A_60, %sign3A_63 : i32
    %sign3A_65 = arith.extui %sign3A_64 : i1 to i32
    %sign3A_66 = arith.constant 0 : i32
    %sign3A_67 = arith.cmpi slt, %select_n3A_60, %sign3A_66 : i32
    %sign3A_68 = arith.extui %sign3A_67 : i1 to i32
    %sign3A_69 = arith.subi %sign3A_65, %sign3A_68 : i32
    %sign3A_70 = arith.constant 0 : i32
    %sign3A_71 = arith.cmpi sgt, %jit3A_61, %sign3A_70 : i32
    %sign3A_72 = arith.extui %sign3A_71 : i1 to i32
    %sign3A_73 = arith.constant 0 : i32
    %sign3A_74 = arith.cmpi slt, %jit3A_61, %sign3A_73 : i32
    %sign3A_75 = arith.extui %sign3A_74 : i1 to i32
    %sign3A_76 = arith.subi %sign3A_72, %sign3A_75 : i32
    %ne3A_77 = arith.cmpi ne, %sign3A_69, %sign3A_76 : i32
    %rem3A_78 = arith.remsi %select_n3A_60, %jit3A_61 : i32
    %ne3A_79 = arith.constant 0 : i32
    %ne3A_80 = arith.cmpi ne, %rem3A_78, %ne3A_79 : i32
    %and3A_81 = arith.andi %ne3A_77, %ne3A_80 : i1
    %sub3A_82 = arith.constant 1 : i32
    %sub3A_83 = arith.subi %div3A_62, %sub3A_82 : i32
    %select_n3A_84 = arith.select %and3A_81, %sub3A_83, %div3A_62 : i32
    %jit3A_85 = arith.constant 16384 : i32
    %eq3A_86 = arith.constant 0 : i32
    %eq3A_87 = arith.cmpi eq, %jit3A_85, %eq3A_86 : i32
    %jit3A_88 = arith.constant 1 : i32
    %select_n3A_89 = arith.select %eq3A_87, %jit3A_88, %jit3A_85 : i32
    %rem3A_90 = arith.remsi %select_n3A_60, %select_n3A_89 : i32
    %ne3A_91 = arith.constant 0 : i32
    %ne3A_92 = arith.cmpi ne, %rem3A_90, %ne3A_91 : i32
    %lt3A_93 = arith.constant 0 : i32
    %lt3A_94 = arith.cmpi slt, %rem3A_90, %lt3A_93 : i32
    %lt3A_95 = arith.constant 0 : i32
    %lt3A_96 = arith.cmpi slt, %select_n3A_89, %lt3A_95 : i32
    %ne3A_97 = arith.xori %lt3A_94, %lt3A_96 : i1
    %and3A_98 = arith.andi %ne3A_97, %ne3A_92 : i1
    %add3A_99 = arith.addi %rem3A_90, %select_n3A_89 : i32
    %select_n3A_100 = arith.select %and3A_98, %add3A_99, %rem3A_90 : i32
    %jit3A_101 = arith.constant 4096 : i32
    %div3A_102 = arith.divsi %select_n3A_100, %jit3A_101 : i32
    %sign3A_103 = arith.constant 0 : i32
    %sign3A_104 = arith.cmpi sgt, %select_n3A_100, %sign3A_103 : i32
    %sign3A_105 = arith.extui %sign3A_104 : i1 to i32
    %sign3A_106 = arith.constant 0 : i32
    %sign3A_107 = arith.cmpi slt, %select_n3A_100, %sign3A_106 : i32
    %sign3A_108 = arith.extui %sign3A_107 : i1 to i32
    %sign3A_109 = arith.subi %sign3A_105, %sign3A_108 : i32
    %sign3A_110 = arith.constant 0 : i32
    %sign3A_111 = arith.cmpi sgt, %jit3A_101, %sign3A_110 : i32
    %sign3A_112 = arith.extui %sign3A_111 : i1 to i32
    %sign3A_113 = arith.constant 0 : i32
    %sign3A_114 = arith.cmpi slt, %jit3A_101, %sign3A_113 : i32
    %sign3A_115 = arith.extui %sign3A_114 : i1 to i32
    %sign3A_116 = arith.subi %sign3A_112, %sign3A_115 : i32
    %ne3A_117 = arith.cmpi ne, %sign3A_109, %sign3A_116 : i32
    %rem3A_118 = arith.remsi %select_n3A_100, %jit3A_101 : i32
    %ne3A_119 = arith.constant 0 : i32
    %ne3A_120 = arith.cmpi ne, %rem3A_118, %ne3A_119 : i32
    %and3A_121 = arith.andi %ne3A_117, %ne3A_120 : i1
    %sub3A_122 = arith.constant 1 : i32
    %sub3A_123 = arith.subi %div3A_102, %sub3A_122 : i32
    %select_n3A_124 = arith.select %and3A_121, %sub3A_123, %div3A_102 : i32
    %jit3A_125 = arith.constant 4096 : i32
    %eq3A_126 = arith.constant 0 : i32
    %eq3A_127 = arith.cmpi eq, %jit3A_125, %eq3A_126 : i32
    %jit3A_128 = arith.constant 1 : i32
    %select_n3A_129 = arith.select %eq3A_127, %jit3A_128, %jit3A_125 : i32
    %rem3A_130 = arith.remsi %select_n3A_100, %select_n3A_129 : i32
    %ne3A_131 = arith.constant 0 : i32
    %ne3A_132 = arith.cmpi ne, %rem3A_130, %ne3A_131 : i32
    %lt3A_133 = arith.constant 0 : i32
    %lt3A_134 = arith.cmpi slt, %rem3A_130, %lt3A_133 : i32
    %lt3A_135 = arith.constant 0 : i32
    %lt3A_136 = arith.cmpi slt, %select_n3A_129, %lt3A_135 : i32
    %ne3A_137 = arith.xori %lt3A_134, %lt3A_136 : i1
    %and3A_138 = arith.andi %ne3A_137, %ne3A_132 : i1
    %add3A_139 = arith.addi %rem3A_130, %select_n3A_129 : i32
    %select_n3A_140 = arith.select %and3A_138, %add3A_139, %rem3A_130 : i32
    %mul3A_141 = arith.constant 4096 : i32
    %mul3A_142 = arith.muli %select_n3A, %mul3A_141 : i32
    %mul3A_143 = arith.constant 4096 : i32
    %mul3A_144 = arith.muli %select_n3A_84, %mul3A_143 : i32
    %add3A_145 = arith.addi %mul3A_142, %mul3A_144 : i32
    %add3A_146 = arith.addi %add3A_145, %select_n3A_140 : i32
    %mul3A_147 = arith.constant 32 : i32
    %mul3A_148 = arith.muli %select_n3A_124, %mul3A_147 : i32
    %dma_wait3A = tpu.memref_slice %arg4[%add3A_146, %mul3A_148] : memref<819200x128xf32, #tpu.memory_space<hbm>> -> memref<1024x32xf32, #tpu.memory_space<hbm>>
    %dma_wait3A_149 = tpu.memref_slice %arg4[%add3A_146, %mul3A_148] : memref<819200x128xf32, #tpu.memory_space<hbm>> -> memref<1024x32xf32, #tpu.memory_space<hbm>>
    tpu.wait_dma2 semaphore(%arg11 : memref<!tpu.dma_semaphore, #tpu.memory_space<semaphore_mem>>) src(%arg7 : memref<1024x32xf32, #tpu.memory_space<vmem>>) dst(%dma_wait3A_149 : memref<1024x32xf32, #tpu.memory_space<hbm>>)
    %add3A_150 = arith.constant 101376 : i32
    %add3A_151 = arith.addi %mul3A_2, %add3A_150 : i32
    %jit3A_152 = arith.constant 16384 : i32
    %div3A_153 = arith.divsi %add3A_151, %jit3A_152 : i32
    %sign3A_154 = arith.constant 0 : i32
    %sign3A_155 = arith.cmpi sgt, %add3A_151, %sign3A_154 : i32
    %sign3A_156 = arith.extui %sign3A_155 : i1 to i32
    %sign3A_157 = arith.constant 0 : i32
    %sign3A_158 = arith.cmpi slt, %add3A_151, %sign3A_157 : i32
    %sign3A_159 = arith.extui %sign3A_158 : i1 to i32
    %sign3A_160 = arith.subi %sign3A_156, %sign3A_159 : i32
    %sign3A_161 = arith.constant 0 : i32
    %sign3A_162 = arith.cmpi sgt, %jit3A_152, %sign3A_161 : i32
    %sign3A_163 = arith.extui %sign3A_162 : i1 to i32
    %sign3A_164 = arith.constant 0 : i32
    %sign3A_165 = arith.cmpi slt, %jit3A_152, %sign3A_164 : i32
    %sign3A_166 = arith.extui %sign3A_165 : i1 to i32
    %sign3A_167 = arith.subi %sign3A_163, %sign3A_166 : i32
    %ne3A_168 = arith.cmpi ne, %sign3A_160, %sign3A_167 : i32
    %rem3A_169 = arith.remsi %add3A_151, %jit3A_152 : i32
    %ne3A_170 = arith.constant 0 : i32
    %ne3A_171 = arith.cmpi ne, %rem3A_169, %ne3A_170 : i32
    %and3A_172 = arith.andi %ne3A_168, %ne3A_171 : i1
    %sub3A_173 = arith.constant 1 : i32
    %sub3A_174 = arith.subi %div3A_153, %sub3A_173 : i32
    %select_n3A_175 = arith.select %and3A_172, %sub3A_174, %div3A_153 : i32
    %jit3A_176 = arith.constant 16384 : i32
    %eq3A_177 = arith.constant 0 : i32
    %eq3A_178 = arith.cmpi eq, %jit3A_176, %eq3A_177 : i32
    %jit3A_179 = arith.constant 1 : i32
    %select_n3A_180 = arith.select %eq3A_178, %jit3A_179, %jit3A_176 : i32
    %rem3A_181 = arith.remsi %add3A_151, %select_n3A_180 : i32
    %ne3A_182 = arith.constant 0 : i32
    %ne3A_183 = arith.cmpi ne, %rem3A_181, %ne3A_182 : i32
    %lt3A_184 = arith.constant 0 : i32
    %lt3A_185 = arith.cmpi slt, %rem3A_181, %lt3A_184 : i32
    %lt3A_186 = arith.constant 0 : i32
    %lt3A_187 = arith.cmpi slt, %select_n3A_180, %lt3A_186 : i32
    %ne3A_188 = arith.xori %lt3A_185, %lt3A_187 : i1
    %and3A_189 = arith.andi %ne3A_188, %ne3A_183 : i1
    %add3A_190 = arith.addi %rem3A_181, %select_n3A_180 : i32
    %select_n3A_191 = arith.select %and3A_189, %add3A_190, %rem3A_181 : i32
    %jit3A_192 = arith.constant 16384 : i32
    %div3A_193 = arith.divsi %select_n3A_191, %jit3A_192 : i32
    %sign3A_194 = arith.constant 0 : i32
    %sign3A_195 = arith.cmpi sgt, %select_n3A_191, %sign3A_194 : i32
    %sign3A_196 = arith.extui %sign3A_195 : i1 to i32
    %sign3A_197 = arith.constant 0 : i32
    %sign3A_198 = arith.cmpi slt, %select_n3A_191, %sign3A_197 : i32
    %sign3A_199 = arith.extui %sign3A_198 : i1 to i32
    %sign3A_200 = arith.subi %sign3A_196, %sign3A_199 : i32
    %sign3A_201 = arith.constant 0 : i32
    %sign3A_202 = arith.cmpi sgt, %jit3A_192, %sign3A_201 : i32
    %sign3A_203 = arith.extui %sign3A_202 : i1 to i32
    %sign3A_204 = arith.constant 0 : i32
    %sign3A_205 = arith.cmpi slt, %jit3A_192, %sign3A_204 : i32
    %sign3A_206 = arith.extui %sign3A_205 : i1 to i32
    %sign3A_207 = arith.subi %sign3A_203, %sign3A_206 : i32
    %ne3A_208 = arith.cmpi ne, %sign3A_200, %sign3A_207 : i32
    %rem3A_209 = arith.remsi %select_n3A_191, %jit3A_192 : i32
    %ne3A_210 = arith.constant 0 : i32
    %ne3A_211 = arith.cmpi ne, %rem3A_209, %ne3A_210 : i32
    %and3A_212 = arith.andi %ne3A_208, %ne3A_211 : i1
    %sub3A_213 = arith.constant 1 : i32
    %sub3A_214 = arith.subi %div3A_193, %sub3A_213 : i32
    %select_n3A_215 = arith.select %and3A_212, %sub3A_214, %div3A_193 : i32
    %jit3A_216 = arith.constant 16384 : i32
    %eq3A_217 = arith.constant 0 : i32
    %eq3A_218 = arith.cmpi eq, %jit3A_216, %eq3A_217 : i32
    %jit3A_219 = arith.constant 1 : i32
    %select_n3A_220 = arith.select %eq3A_218, %jit3A_219, %jit3A_216 : i32
    %rem3A_221 = arith.remsi %select_n3A_191, %select_n3A_220 : i32
    %ne3A_222 = arith.constant 0 : i32
    %ne3A_223 = arith.cmpi ne, %rem3A_221, %ne3A_222 : i32
    %lt3A_224 = arith.constant 0 : i32
    %lt3A_225 = arith.cmpi slt, %rem3A_221, %lt3A_224 : i32
    %lt3A_226 = arith.constant 0 : i32
    %lt3A_227 = arith.cmpi slt, %select_n3A_220, %lt3A_226 : i32
    %ne3A_228 = arith.xori %lt3A_225, %lt3A_227 : i1
    %and3A_229 = arith.andi %ne3A_228, %ne3A_223 : i1
    %add3A_230 = arith.addi %rem3A_221, %select_n3A_220 : i32
    %select_n3A_231 = arith.select %and3A_229, %add3A_230, %rem3A_221 : i32
    %jit3A_232 = arith.constant 4096 : i32
    %div3A_233 = arith.divsi %select_n3A_231, %jit3A_232 : i32
    %sign3A_234 = arith.constant 0 : i32
    %sign3A_235 = arith.cmpi sgt, %select_n3A_231, %sign3A_234 : i32
    %sign3A_236 = arith.extui %sign3A_235 : i1 to i32
    %sign3A_237 = arith.constant 0 : i32
    %sign3A_238 = arith.cmpi slt, %select_n3A_231, %sign3A_237 : i32
    %sign3A_239 = arith.extui %sign3A_238 : i1 to i32
    %sign3A_240 = arith.subi %sign3A_236, %sign3A_239 : i32
    %sign3A_241 = arith.constant 0 : i32
    %sign3A_242 = arith.cmpi sgt, %jit3A_232, %sign3A_241 : i32
    %sign3A_243 = arith.extui %sign3A_242 : i1 to i32
    %sign3A_244 = arith.constant 0 : i32
    %sign3A_245 = arith.cmpi slt, %jit3A_232, %sign3A_244 : i32
    %sign3A_246 = arith.extui %sign3A_245 : i1 to i32
    %sign3A_247 = arith.subi %sign3A_243, %sign3A_246 : i32
    %ne3A_248 = arith.cmpi ne, %sign3A_240, %sign3A_247 : i32
    %rem3A_249 = arith.remsi %select_n3A_231, %jit3A_232 : i32
    %ne3A_250 = arith.constant 0 : i32
    %ne3A_251 = arith.cmpi ne, %rem3A_249, %ne3A_250 : i32
    %and3A_252 = arith.andi %ne3A_248, %ne3A_251 : i1
    %sub3A_253 = arith.constant 1 : i32
    %sub3A_254 = arith.subi %div3A_233, %sub3A_253 : i32
    %select_n3A_255 = arith.select %and3A_252, %sub3A_254, %div3A_233 : i32
    %jit3A_256 = arith.constant 4096 : i32
    %eq3A_257 = arith.constant 0 : i32
    %eq3A_258 = arith.cmpi eq, %jit3A_256, %eq3A_257 : i32
    %jit3A_259 = arith.constant 1 : i32
    %select_n3A_260 = arith.select %eq3A_258, %jit3A_259, %jit3A_256 : i32
    %rem3A_261 = arith.remsi %select_n3A_231, %select_n3A_260 : i32
    %ne3A_262 = arith.constant 0 : i32
    %ne3A_263 = arith.cmpi ne, %rem3A_261, %ne3A_262 : i32
    %lt3A_264 = arith.constant 0 : i32
    %lt3A_265 = arith.cmpi slt, %rem3A_261, %lt3A_264 : i32
    %lt3A_266 = arith.constant 0 : i32
    %lt3A_267 = arith.cmpi slt, %select_n3A_260, %lt3A_266 : i32
    %ne3A_268 = arith.xori %lt3A_265, %lt3A_267 : i1
    %and3A_269 = arith.andi %ne3A_268, %ne3A_263 : i1
    %add3A_270 = arith.addi %rem3A_261, %select_n3A_260 : i32
    %select_n3A_271 = arith.select %and3A_269, %add3A_270, %rem3A_261 : i32
    %mul3A_272 = arith.constant 4096 : i32
    %mul3A_273 = arith.muli %select_n3A_175, %mul3A_272 : i32
    %mul3A_274 = arith.constant 4096 : i32
    %mul3A_275 = arith.muli %select_n3A_215, %mul3A_274 : i32
    %add3A_276 = arith.addi %mul3A_273, %mul3A_275 : i32
    %add3A_277 = arith.addi %add3A_276, %select_n3A_271 : i32
    %mul3A_278 = arith.constant 32 : i32
    %mul3A_279 = arith.muli %select_n3A_255, %mul3A_278 : i32
    %dma_wait3A_280 = tpu.memref_slice %arg4[%add3A_277, %mul3A_279] : memref<819200x128xf32, #tpu.memory_space<hbm>> -> memref<1024x32xf32, #tpu.memory_space<hbm>>
    %dma_wait3A_281 = tpu.memref_slice %arg4[%add3A_277, %mul3A_279] : memref<819200x128xf32, #tpu.memory_space<hbm>> -> memref<1024x32xf32, #tpu.memory_space<hbm>>
    tpu.wait_dma2 semaphore(%arg12 : memref<!tpu.dma_semaphore, #tpu.memory_space<semaphore_mem>>) src(%arg8 : memref<1024x32xf32, #tpu.memory_space<vmem>>) dst(%dma_wait3A_281 : memref<1024x32xf32, #tpu.memory_space<hbm>>)
    return
  }
}

module attributes {stable_mosaic.version = 14 : i64} {
  func.func @body(%arg0: i32, %arg1: memref<32x2048xf32, #tpu.memory_space<vmem>>, %arg2: memref<512x128xf32, #tpu.memory_space<vmem>>) attributes {dimension_semantics = [#tpu.dimension_semantics<arbitrary>], iteration_bounds = array<i64: 489>, scalar_prefetch = 0 : i64, scratch_operands = 0 : i64, tpu.core_type = #tpu.core_type<tc>, window_params = [{transform_indices = @transform_0, window_bounds = array<i64: 32, 2048>}, {transform_indices = @transform_1, window_bounds = array<i64: 512, 128>}]} {
    %get3A = arith.constant 0 : index
    %get3A_0 = arith.constant 0 : index
    %get3A_1 = vector.load %arg1[%get3A, %get3A_0] : memref<32x2048xf32, #tpu.memory_space<vmem>>, vector<32x512xf32>
    %get3A_2 = arith.constant 0 : index
    %get3A_3 = arith.constant 512 : index
    %get3A_4 = vector.load %arg1[%get3A_2, %get3A_3] : memref<32x2048xf32, #tpu.memory_space<vmem>>, vector<32x512xf32>
    %get3A_5 = arith.constant 0 : index
    %get3A_6 = arith.constant 1024 : index
    %get3A_7 = vector.load %arg1[%get3A_5, %get3A_6] : memref<32x2048xf32, #tpu.memory_space<vmem>>, vector<32x512xf32>
    %get3A_8 = arith.constant 0 : index
    %get3A_9 = arith.constant 1536 : index
    %get3A_10 = vector.load %arg1[%get3A_8, %get3A_9] : memref<32x2048xf32, #tpu.memory_space<vmem>>, vector<32x512xf32>
    %concatenate3A = tpu.concatenate %get3A_1, %get3A_4, %get3A_7, %get3A_10 in 0 : vector<32x512xf32>, vector<32x512xf32>, vector<32x512xf32>, vector<32x512xf32> -> vector<128x512xf32>
    %transpose3A = tpu.transpose %concatenate3A, [1, 0] : vector<128x512xf32> -> vector<512x128xf32>
    %swap3A = arith.constant 0 : index
    %swap3A_11 = arith.constant 0 : index
    %swap3A_12 = vector.load %arg2[%swap3A, %swap3A_11] : memref<512x128xf32, #tpu.memory_space<vmem>>, vector<512x128xf32>
    tpu.vector_store %arg2[%swap3A, %swap3A_11], %transpose3A {strides = array<i32>} : memref<512x128xf32, #tpu.memory_space<vmem>>, vector<512x128xf32>,
    return
  }
  func.func @transform_0(%arg0: i32) -> (i32, i32) {
    %c0_i32 = arith.constant 0 : i32
    %c0_i32_0 = arith.constant 0 : i32
    return %c0_i32, %arg0 : i32, i32
  }
  func.func @transform_1(%arg0: i32) -> (i32, i32) {
    %c0_i32 = arith.constant 0 : i32
    %c0_i32_0 = arith.constant 0 : i32
    return %arg0, %c0_i32 : i32, i32
  }
}

module attributes {stable_mosaic.version = 14 : i64} {
  func.func @body(%arg0: i32, %arg1: i32, %arg2: memref<2x4096x128xf32, #tpu.memory_space<vmem>>, %arg3: memref<2x32x16384xf32, #tpu.memory_space<vmem>>) attributes {dimension_semantics = [#tpu.dimension_semantics<arbitrary>, #tpu.dimension_semantics<arbitrary>], iteration_bounds = array<i64: 100, 1>, scalar_prefetch = 0 : i64, scratch_operands = 0 : i64, tpu.core_type = #tpu.core_type<tc>, window_params = [{transform_indices = @transform_0, window_bounds = array<i64: 2, 4096, 128>}, {transform_indices = @transform_1, window_bounds = array<i64: 2, 32, 16384>}]} {
    %get3A = arith.constant 0 : index
    %get3A_0 = arith.constant 0 : index
    %get3A_1 = arith.constant 0 : index
    %get3A_2 = vector.load %arg2[%get3A, %get3A_0, %get3A_1] : memref<2x4096x128xf32, #tpu.memory_space<vmem>>, vector<1x4096x128xf32>
    %get3A_3 = vector.shape_cast %get3A_2 : vector<1x4096x128xf32> to vector<4096x128xf32>
    %transpose3A = tpu.transpose %get3A_3, [1, 0] : vector<4096x128xf32> -> vector<128x4096xf32>
    %slice3A = vector.extract_strided_slice %transpose3A {offsets = [0, 0], sizes = [32, 4096], strides = [1, 1]} : vector<128x4096xf32> to vector<32x4096xf32>
    %slice3A_4 = vector.extract_strided_slice %transpose3A {offsets = [32, 0], sizes = [32, 4096], strides = [1, 1]} : vector<128x4096xf32> to vector<32x4096xf32>
    %slice3A_5 = vector.extract_strided_slice %transpose3A {offsets = [64, 0], sizes = [32, 4096], strides = [1, 1]} : vector<128x4096xf32> to vector<32x4096xf32>
    %slice3A_6 = vector.extract_strided_slice %transpose3A {offsets = [96, 0], sizes = [32, 4096], strides = [1, 1]} : vector<128x4096xf32> to vector<32x4096xf32>
    %concatenate3A = tpu.concatenate %slice3A, %slice3A_4, %slice3A_5, %slice3A_6 in 1 : vector<32x4096xf32>, vector<32x4096xf32>, vector<32x4096xf32>, vector<32x4096xf32> -> vector<32x16384xf32>
    %swap3A = arith.constant 0 : index
    %swap3A_7 = arith.constant 0 : index
    %swap3A_8 = arith.constant 0 : index
    %swap3A_9 = vector.load %arg3[%swap3A, %swap3A_7, %swap3A_8] : memref<2x32x16384xf32, #tpu.memory_space<vmem>>, vector<1x32x16384xf32>
    %swap3A_10 = vector.shape_cast %swap3A_9 : vector<1x32x16384xf32> to vector<32x16384xf32>
    %swap3A_11 = vector.shape_cast %concatenate3A : vector<32x16384xf32> to vector<1x32x16384xf32>
    tpu.vector_store %arg3[%swap3A, %swap3A_7, %swap3A_8], %swap3A_11 {strides = array<i32>} : memref<2x32x16384xf32, #tpu.memory_space<vmem>>, vector<1x32x16384xf32>,
    %get3A_12 = arith.constant 1 : index
    %get3A_13 = arith.constant 0 : index
    %get3A_14 = arith.constant 0 : index
    %get3A_15 = vector.load %arg2[%get3A_12, %get3A_13, %get3A_14] : memref<2x4096x128xf32, #tpu.memory_space<vmem>>, vector<1x4096x128xf32>
    %get3A_16 = vector.shape_cast %get3A_15 : vector<1x4096x128xf32> to vector<4096x128xf32>
    %transpose3A_17 = tpu.transpose %get3A_16, [1, 0] : vector<4096x128xf32> -> vector<128x4096xf32>
    %slice3A_18 = vector.extract_strided_slice %transpose3A_17 {offsets = [0, 0], sizes = [32, 4096], strides = [1, 1]} : vector<128x4096xf32> to vector<32x4096xf32>
    %slice3A_19 = vector.extract_strided_slice %transpose3A_17 {offsets = [32, 0], sizes = [32, 4096], strides = [1, 1]} : vector<128x4096xf32> to vector<32x4096xf32>
    %slice3A_20 = vector.extract_strided_slice %transpose3A_17 {offsets = [64, 0], sizes = [32, 4096], strides = [1, 1]} : vector<128x4096xf32> to vector<32x4096xf32>
    %slice3A_21 = vector.extract_strided_slice %transpose3A_17 {offsets = [96, 0], sizes = [32, 4096], strides = [1, 1]} : vector<128x4096xf32> to vector<32x4096xf32>
    %concatenate3A_22 = tpu.concatenate %slice3A_18, %slice3A_19, %slice3A_20, %slice3A_21 in 1 : vector<32x4096xf32>, vector<32x4096xf32>, vector<32x4096xf32>, vector<32x4096xf32> -> vector<32x16384xf32>
    %swap3A_23 = arith.constant 1 : index
    %swap3A_24 = arith.constant 0 : index
    %swap3A_25 = arith.constant 0 : index
    %swap3A_26 = vector.load %arg3[%swap3A_23, %swap3A_24, %swap3A_25] : memref<2x32x16384xf32, #tpu.memory_space<vmem>>, vector<1x32x16384xf32>
    %swap3A_27 = vector.shape_cast %swap3A_26 : vector<1x32x16384xf32> to vector<32x16384xf32>
    %swap3A_28 = vector.shape_cast %concatenate3A_22 : vector<32x16384xf32> to vector<1x32x16384xf32>
    tpu.vector_store %arg3[%swap3A_23, %swap3A_24, %swap3A_25], %swap3A_28 {strides = array<i32>} : memref<2x32x16384xf32, #tpu.memory_space<vmem>>, vector<1x32x16384xf32>,
    return
  }
  func.func @transform_0(%arg0: i32, %arg1: i32) -> (i32, i32, i32) {
    %c0_i32 = arith.constant 0 : i32
    %c0_i32_0 = arith.constant 0 : i32
    return %arg0, %arg1, %c0_i32 : i32, i32, i32
  }
  func.func @transform_1(%arg0: i32, %arg1: i32) -> (i32, i32, i32) {
    %c0_i32 = arith.constant 0 : i32
    %c0_i32_0 = arith.constant 0 : i32
    return %arg0, %c0_i32, %arg1 : i32, i32, i32
  }
}

</mosaic_0001>

<sc_bundles>
// kernel: kernel.5.cloned.1.call-start
scs
__scs_entry_jumppad:
0x0: {  	(pc) =	sbr.rel $0x88, $3  }
0x1: {  	(tag) =	ssettag $0x0;
	lr =	simm.s32 $0x1  }
0x2: {  	[smem:$0x3F9F] =	sst lr;
	_ =	strace $0xD0000000  }
0x3: {  	_ = 	snop  }
0x4: {  	_ = 	snop  }
0x5: {  	_ = 	snop  }
0x6: {  	_ = 	snop  }
0x7: {  	_ = 	snop  }
__scs_overlays_trampoline_lowered:
0x8: {  	[smem:$0x3FAE] =	sst s0  }
0x9: {  	[smem:$0x3FAF] =	sst s1  }
0xa: {  	[smem:$0x3FB0] =	sst s2  }
0xb: {  	[smem:$0x3FB1] =	sst s3  }
0xc: {  	[smem:$0x3FB2] =	sst s4  }
0xd: {  	[smem:$0x3FB3] =	sst s5  }
0xe: {  	[smem:$0x3FB4] =	sst s6  }
0xf: {  	[smem:$0x3FB5] =	sst s7  }
0x10: {  	[smem:$0x3FB6] =	sst s8  }
0x11: {  	[smem:$0x3FB7] =	sst s9;
	s0 =	simm.s32 @!p0 $0x0  }
0x12: {  	s1 =	sld [smem:$0x3F9D];
	s0 =	simm.s32 @p0 $0x1  }
0x13: {  	[smem:$0x3FB8] =	sst s0;
	s0 =	simm.s32 @!p1 $0x0  }
0x14: {  	s2 =	sld [smem:$0x3F9C];
	s0 =	simm.s32 @p1 $0x1  }
0x15: {  	[smem:$0x3FB9] =	sst s0;
	s0 =	simm.s32 @!p2 $0x0  }
0x16: {  	s3 =	sld [smem:$0x3FDB];
	s0 =	simm.s32 @p2 $0x1  }
0x17: {  	s4 =	simm.s32 $0x1BF5;
	[smem:$0x3FBB] =	sst s0  }
0x18: {  	s0 =	sld [smem:$0x3F9E];
	_ =	swait.ge [sflag:s4], $0x0  }
0x19: {  	s7 =	sld [smem:$0x3F9F]  }
0x1a: {  	s8 =	sadd.s32 $0xFFFFE003, lr  }
0x1b: {  	s9 =	sadd.s32 $0xFFFFFEF7, lr;
	s5 =	simm.s32 $0xFFFFFFFF;
	p2 =	slt.u32 s8, $0xFFFFF086  }
0x1c: {  	p1 =	slt.u32 s9, $0xF7A;
	s5 =	simm.s32 @!p2 $0x0  }
0x1d: {  	s5 =	simm.s32 @p1 $0x1;
	p0 =	seq.s32 s7, s2  }
0x1e: {  	s7 =	smul.u32 @!p0 $0xF7A, s2;
	p2 =	seq.s32 @!p0 s5, $0x0  }
0x1f: {  	s9 =	smul.u32 $0xF7A, s1;
	s8 =	simm.s32 @!p0 $0x1BF5;
	p2 =	por !p2, p0  }
0x20: {  	[sflag:s8] =	ssyncset.s32 @!p0 $0xFFFFF086;
	s6 =	sadd.s32 @!p0 s3, s7;
	s7 =	simm.s32 @!p0 $0x108  }
0x21: {  	s3 =	sadd.s32 s3, s9;
	s6 =	sadd.s32 @!p0 $0x88, s6;
	s7 =	simm.s32 @p2 $0x1082  }
0x22: {  	[simem:s7], [sflag:s8] =	dma.local @!p0 [hbm:s6], $0xF7A  }
0x23: {  	s9 =	sor.u32 $0xD0000000, s2;
	s6 =	simm.s32 $0x108;
	_ =	swait.ge @!p0 [sflag:s8], $0x0  }
0x24: {  	s3 =	sadd.s32 $0x88, s3;
	s6 =	simm.s32 @!p1 $0x1082;
	[sflag:s4] =	ssyncset.s32 $0xFFFFF086  }
0x25: {  	[simem:s6], [sflag:s4] =	dma.local [hbm:s3], $0xF7A  }
0x26: {  	[smem:$0x3F9F] =	sst s1;
	(tag) =	ssettag s2;
	_ =	strace s9  }
0x27: {  	s1 =	sld [smem:$0x3FAF]  }
0x28: {  	s2 =	sld [smem:$0x3FB0]  }
0x29: {  	s4 =	sld [smem:$0x3FB2]  }
0x2a: {  	p0 =	seq.s32 s5, $0x0;
	s5 =	sld [smem:$0x3FB3]  }
0x2b: {  	s6 =	sld [smem:$0x3FB4]  }
0x2c: {  	s7 =	sld [smem:$0x3FB5]  }
0x2d: {  	s3 =	simm.s32 $0x108;
	s8 =	sld [smem:$0x3FB6]  }
0x2e: {  	s3 =	simm.s32 @!p0 $0x1082;
	s9 =	sld [smem:$0x3FB7]  }
0x2f: {  	lr =	sadd.s32 s0, s3;
	s0 =	sld [smem:$0x3FAE]  }
0x30: {  	s3 =	sld [smem:$0x3FB1]  }
0x31: {  	[smem:$0x3FBA] =	sst s10  }
0x32: {  	s10 =	sld [smem:$0x3FB8];
	_ =	sdelay $0x3  }
0x33: {  	p0 =	seq.s32 s10, $0x1;
	s10 =	sld [smem:$0x3FBA];
	_ =	sdelay $0x3  }
0x34: {  	[smem:$0x3FBA] =	sst s10  }
0x35: {  	s10 =	sld [smem:$0x3FB9];
	_ =	sdelay $0x3  }
0x36: {  	p1 =	seq.s32 s10, $0x1;
	s10 =	sld [smem:$0x3FBA];
	_ =	sdelay $0x3  }
0x37: {  	[smem:$0x3FBA] =	sst s10  }
0x38: {  	s10 =	sld [smem:$0x3FBB]  }
0x39: {  	_ = 	snop;
	(pc) =	sbr.ind lr, $3  }
0x3a: {  	_ = 	snop  }
0x3b: {  	_ = 	snop  }
0x3c: {  	p2 =	seq.s32 s10, $0x1;
	s10 =	sld [smem:$0x3FBA]  }
0x3d: {  	_ =	shalt  }
0x3e: {  	_ =	shalt  }
0x3f: {  	_ =	shalt  }
0x40: {  	_ =	shalt  }
0x41: {  	_ =	shalt  }
0x42: {  	_ =	shalt  }
0x43: {  	_ =	shalt  }
0x44: {  	_ =	shalt  }
0x45: {  	_ =	shalt  }
0x46: {  	_ =	shalt  }
0x47: {  	_ =	shalt  }
0x48: {  	_ =	shalt  }
0x49: {  	_ =	shalt  }
0x4a: {  	_ =	shalt  }
0x4b: {  	_ =	shalt  }
0x4c: {  	_ =	shalt  }
0x4d: {  	_ =	shalt  }
0x4e: {  	_ =	shalt  }
0x4f: {  	_ =	shalt  }
0x50: {  	_ =	shalt  }
0x51: {  	_ =	shalt  }
0x52: {  	_ =	shalt  }
0x53: {  	_ =	shalt  }
0x54: {  	_ =	shalt  }
0x55: {  	_ =	shalt  }
0x56: {  	_ =	shalt  }
0x57: {  	_ =	shalt  }
0x58: {  	_ =	shalt  }
0x59: {  	_ =	shalt  }
0x5a: {  	_ =	shalt  }
0x5b: {  	_ =	shalt  }
0x5c: {  	_ =	shalt  }
0x5d: {  	_ =	shalt  }
0x5e: {  	_ =	shalt  }
0x5f: {  	_ =	shalt  }
0x60: {  	_ =	shalt  }
0x61: {  	_ =	shalt  }
0x62: {  	_ =	shalt  }
0x63: {  	_ =	shalt  }
0x64: {  	_ =	shalt  }
0x65: {  	_ =	shalt  }
0x66: {  	_ =	shalt  }
0x67: {  	_ =	shalt  }
0x68: {  	_ =	shalt  }
0x69: {  	_ =	shalt  }
0x6a: {  	_ =	shalt  }
0x6b: {  	_ =	shalt  }
0x6c: {  	_ =	shalt  }
0x6d: {  	_ =	shalt  }
0x6e: {  	_ =	shalt  }
0x6f: {  	_ =	shalt  }
0x70: {  	_ =	shalt  }
0x71: {  	_ =	shalt  }
0x72: {  	_ =	shalt  }
0x73: {  	_ =	shalt  }
0x74: {  	_ =	shalt  }
0x75: {  	_ =	shalt  }
0x76: {  	_ =	shalt  }
0x77: {  	_ =	shalt  }
0x78: {  	_ =	shalt  }
0x79: {  	_ =	shalt  }
0x7a: {  	_ =	shalt  }
0x7b: {  	_ =	shalt  }
0x7c: {  	_ =	shalt  }
0x7d: {  	_ =	shalt  }
0x7e: {  	_ =	shalt  }
0x7f: {  	_ =	shalt  }
0x80: {  	_ =	shalt  }
0x81: {  	_ =	shalt  }
0x82: {  	_ =	shalt  }
0x83: {  	_ =	shalt  }
0x84: {  	_ =	shalt  }
0x85: {  	_ =	shalt  }
0x86: {  	_ =	shalt  }
0x87: {  	_ =	shalt  }
.Lfunc_end0:
.L_simem_size_0:
called_computation_lowered:
.L_overlay_start_0:
0x88: {  	s2 =	sld [smem:$0x3FD9]  }
0x89: {  	s3 =	sld [smem:$0x3FFE];
	_ =	sdelay $0x1  }
0x8a: {  	s1 =	srdreg.scid  }
0x8b: {  	s0 =	sand.u32 $0x1, s1  }
0x8c: {  	s17 =	sshll.u32 s0, $0xA;
	s2 =	sadd.s32 s3, s2  }
0x8d: {  	s2 =	sadd.s32 s2, s17  }
0x8e: {  	[smem:$0x3FC6] =	sst s2  }
0x8f: {  	_ = 	snop  }
0x90: {  	s2 =	sld [smem:$0x3FD0];
	(tm) =	ssettm $0x1  }
0x91: {  	s18 =	sld [smem:$0x3FFB];
	_ =	sdelay $0x3  }
0x92: {  	_ =	strace s18  }
0x93: {  	s3 =	sld [smem:$0x3FFC];
	_ =	sdelay $0x3  }
0x94: {  	_ =	strace s3  }
0x95: {  	s3 =	sld [smem:$0x3FFD];
	_ =	sdelay $0x3  }
0x96: {  	_ =	strace s3  }
0x97: {  	_ =	strace $0x8FFFFFFF  }
0x98: {  	s19 =	sld [smem:$0x3FDB];
	_ =	sdelay $0x1  }
0x99: {  	s4 =	simm.s32 $_scs_section_size  }
0x9a: {  	s5 =	simm.s32 $_size__tile_overlayer_lowered;
	s6 =	simm.s32 $_tile_overlayer_lowered  }
0x9b: {  	s22 =	simm.s32 $0x1BFF;
	s21 =	sshll.u32 s6, $0x1;
	s3 =	sadd.s32 s4, s19  }
0x9c: {  	s7 =	simm.s32 $0x0;
	s20 =	sshll.u32 s5, $0x1;
	s5 =	sadd.s32 s21, s3  }
0x9d: {  	[timem:s7], [sflag:s22] =	dma.local [hbm:s5], s20  }
0x9e: {  	_ =	swait.ge [sflag:s22], s20  }
0x9f: {  	s4 =	ssub.s32 $0x0, s20;
	[sflag:s22] =	ssyncset.done $0x0  }
0xa0: {  	[sflag:s22] =	ssyncadd.s32 s4;
	_ =	sdelay $0x1  }
0xa1: {  	s23 =	simm.s32 $0x1B8B  }
0xa2: {  	_ =	swait.ge [sflag:s23], $0x1  }
0xa3: {  	[sflag:s23] =	ssyncset.done $0x0  }
0xa4: {  	s25 =	simm.s32 $0x1B8E;
	s24 =	sld [smem:$0x3FFE];
	[sflag:s23] =	ssyncadd.s32 $0xFFFFFFFF  }
0xa5: {  	s26 =	simm.s32 $execute0_lowered;
	[smem:$0x3FD2] =	sst s25  }
0xa6: {  	s5 =	sshll.u32 s26, $0x1;
	_ =	strace $0x80000046;
	[dreg:$0x1] =	wrdreg $0xFFFFFFFF  }
0xa7: {  	s28 =	simm.s32 $_size_execute0_lowered;
	s3 =	sadd.s32 s3, s5;
	[dreg:$0x0] =	wrdreg $0x0  }
0xa8: {  	s5 =	sshll.u32 s28, $0x1;
	[dreg:$0x2] =	wrdreg s3  }
0xa9: {  	[dreg:$0x3] =	wrdreg s5  }
0xaa: {  	[dreg:$0x4] =	wrdreg $0xC0  }
0xab: {  	_ =	task [dreg:s7], $0x5FFFF  }
0xac: {  	[dreg:$0x1] =	wrdreg $0xFFFFFFFF  }
0xad: {  	[dreg:$0x0] =	wrdreg $0x60  }
0xae: {  	[dreg:$0x2] =	wrdreg s24  }
0xaf: {  	[dreg:$0x3] =	wrdreg s2  }
0xb0: {  	[dreg:$0x4] =	wrdreg $0x9  }
0xb1: {  	_ =	task.clear_ibuf [dreg:s7], $0x5FFFF;
	_ =	strace $0x90000046  }
0xb2: {  	s29 =	simm.s32 $0x9;
	_ =	strace $0x80000048  }
0xb3: {  	_ =	swait.ge [sflag:s29], $0x1  }
0xb4: {  	[sflag:s29] =	ssyncadd.s32 $0xFFFFFFFF  }
0xb5: {  	_ =	strace $0x90000048  }
0xb6: {  	_ =	sfence  }
0xb7: {  	s30 =	sld [smem:$0x0];
	_ =	sdelay $0x2  }
0xb8: {  	s31 =	sshll.u32 s1, $0xD;
	s1 =	sshrl.u32 s1, $0x2  }
0xb9: {  	s3 =	sand.u32 $0x4000, s31;
	s1 =	sadd.s32 s1, s30  }
0xba: {  	s0 =	sor.u32 s3, s0;
	s1 =	sshll.u32 s1, $0x11  }
0xbb: {  	s0 =	sor.u32 s1, s0  }
0xbc: {  	s0 =	sadd.s32 $0x8F2B, s0  }
0xbd: {  	[sflag:s0] =	ssyncadd.remote.s32 $0x1  }
0xbe: {  	_ =	sfence.sel $0xFFFF  }
0xbf: {  	[dreg:$0x0] =	wrdreg $0xFFFFFFFF;
	(pc) =	sbr.abs _section_cstart, $3  }
0xc0: {  	[dreg:$0x1] =	wrdreg $0xFFFFFFFF  }
0xc1: {  	_ =	task.clear_ibuf [dreg:s7], $0x2FFFF;
	_ =	strace $0x9FFFFFFF  }
0xc2: {  	(tm) =	ssettm $0x7FFFFFFF  }
0xc3: {  	_ =	shalt  }
tec
execute0_lowered:
.L_overlay_start_1:
0x0: {  	(tag) =	ssettag $0x1  }
0x1: {  	s1 =	srdreg.scid  }
0x2: {  	s0 =	stileid.u32;
	s7 =	rddreg [dreg:$0x0]  }
0x3: {  	s2 =	rddreg [dreg:$0x1];
	s3 =	simm.s32 $0x0;
	s10 =	simm.s32 $0x5  }
0x4: {  	s11 =	simm.s32 $0x400;
	s12 =	simm.s32 $0x800;
	s13 =	simm.s32 $0x8800  }
0x5: {  	s14 =	simm.s32 $0x1;
	s6 =	sand.u32 $0x1, s1;
	s30 =	sshll.u32 s0, $0x1  }
0x6: {  	s15 =	simm.s32 $0x20;
	s16 =	simm.s32 $0x80;
	s4 =	sor.u32 s6, s30  }
0x7: {  	s17 =	simm.s32 $0x2;
	s18 =	simm.s32 $0x3;
	s4 =	smul.u32 $0x19000, s4  }
.Ltmp0:
0x8: {  	s19 =	simm.s32 $0x4;
	s1 =	rddreg [dreg:$0x2];
	(pc) =	sbr.rel .LBB2_1-.Ltmp0, $4  }
0x9: {  	s20 =	simm.s32 $0x0;
	[smem:$0x7FF] =	sst s3;
	s8 =	ssub.s32 $0x2, s6  }
0xa: {  	s5 =	sadd.s32 $0x400, s7;
	s9 =	sshrl.u32 s8, $0x1;
	s31 =	sshrl.u32 s4, $0x3  }
0xb: {  	s7 =	sadd.s32 $0x64400, s7;
	s9 =	ssub.s32 s8, s9;
	s6 =	sadd.s32 s5, s31  }
0xc: {  	_ =	strace $0x80000047;
	s9 =	smax.u32 s9, $0x1;
	s8 =	sadd.s32 $0x80, s6  }
.LBB2_14:
0xd: {  	s20 =	sadd.s32 $0x1, s20  }
0xe: {  	_ =	swait.ge [sflag:s18], $0x8000;
	p0 =	sne.s32 s20, s9  }
.Ltmp1:
0xf: {  	[sflag:s18] =	ssyncset.done $0x0;
	(pc) =	sbr.rel @!p0 .LBB2_15-.Ltmp1, $4  }
0x10: {  	[sflag:s18] =	ssyncadd.s32 $0xFFFF8000  }
0x11: {  	_ =	swait.ge [sflag:s19], $0x8000  }
0x12: {  	[sflag:s19] =	ssyncset.done $0x0  }
0x13: {  	[sflag:s19] =	ssyncadd.s32 $0xFFFF8000  }
.LBB2_1:
0x14: {  	[tilespmem:s3], [sflag:$0x5] =	stream.linear.gather [hbm4b:s6+s3], $0x400, $0x38;
	[tilespmem:$0x10800] =	vst v63  }
0x15: {  	_ =	swait.ge [sflag:s10], $0x400  }
0x16: {  	[sflag:s10] =	ssyncset.done $0x0  }
0x17: {  	s21 =	simm.s32 $0x0;
	s22 =	simm.s32 $0x40;
	[sflag:s10] =	ssyncadd.s32 $0xFFFFFC00  }
.LBB2_2:
0x18: {  	p0 =	sne.s32 s22, $0xFC0;
	v0 =	vld [tilespmem:s21+$0x0];
	_ =	sdelay $0x4  }
.Ltmp2:
0x19: {  	v1 =	vshll.u32 v0, $0x2;
	(pc) =	sbr.rel @p0 .LBB2_2-.Ltmp2, $4  }
0x1a: {  	v2 =	vand.u32 $0xFFFFF800, v0;
	v0 =	vshrl.u32 v0, $0x9;
	v1 =	vand.u32 $0x7FC, v1  }
0x1b: {  	v0 =	vand.u32 $0x3, v0;
	v1 =	vor.u32 v2, v1  }
0x1c: {  	v0 =	vor.u32 v0, v1  }
0x1d: {  	[tilespmem:s21+$0x0] =	vst v0;
	s21 =	sshra.s32 s22, $0x2;
	s22 =	sadd.s32 $0x40, s22  }
0x1e: {  	v0 =	vld [tilespmem:s21+$0x0];
	_ =	sdelay $0x4  }
0x1f: {  	v1 =	vshll.u32 v0, $0x2  }
0x20: {  	v2 =	vand.u32 $0xFFFFF800, v0;
	v0 =	vshrl.u32 v0, $0x9;
	v1 =	vand.u32 $0x7FC, v1  }
0x21: {  	v0 =	vand.u32 $0x3, v0;
	v1 =	vor.u32 v2, v1  }
0x22: {  	v0 =	vor.u32 v0, v1  }
0x23: {  	s31 =	simm.s32 $0x0;
	[tilespmem:s21+$0x0] =	vst v0  }
0x24: {  	[tilespmem:s12], [sflag:$0x1] =	stream.indirect.gather [hbm4b:s2+s11], $0x20, s31, s11, $0xb8;
	[tilespmem:$0x10800] =	vst v63  }
0x25: {  	_ = 	snop  }
0x26: {  	[tilespmem:s11], [sflag:$0x5] =	stream.linear.gather [hbm4b:s8+s31], $0x400, $0x38;
	[tilespmem:$0x10800] =	vst v63  }
0x27: {  	_ =	swait.ge [sflag:s10], $0x400  }
0x28: {  	[sflag:s10] =	ssyncset.done $0x0  }
0x29: {  	s22 =	simm.s32 $0x40;
	s21 =	simm.s32 $0x0;
	[sflag:s10] =	ssyncadd.s32 $0xFFFFFC00  }
.LBB2_4:
0x2a: {  	p0 =	sne.s32 s22, $0xFC0;
	v0 =	vld [tilespmem:s21+$0x400];
	_ =	sdelay $0x4  }
.Ltmp3:
0x2b: {  	v1 =	vshll.u32 v0, $0x2;
	(pc) =	sbr.rel @p0 .LBB2_4-.Ltmp3, $4  }
0x2c: {  	v2 =	vand.u32 $0xFFFFF800, v0;
	v0 =	vshrl.u32 v0, $0x9;
	v1 =	vand.u32 $0x7FC, v1  }
0x2d: {  	v0 =	vand.u32 $0x3, v0;
	v1 =	vor.u32 v2, v1  }
0x2e: {  	v0 =	vor.u32 v0, v1  }
0x2f: {  	[tilespmem:s21+$0x400] =	vst v0;
	s21 =	sshra.s32 s22, $0x2;
	s22 =	sadd.s32 $0x40, s22  }
0x30: {  	v0 =	vld [tilespmem:s21+$0x400];
	_ =	sdelay $0x4  }
0x31: {  	v1 =	vshll.u32 v0, $0x2  }
0x32: {  	v2 =	vand.u32 $0xFFFFF800, v0;
	v0 =	vshrl.u32 v0, $0x9;
	v1 =	vand.u32 $0x7FC, v1  }
0x33: {  	v0 =	vand.u32 $0x3, v0;
	v1 =	vor.u32 v2, v1  }
0x34: {  	v0 =	vor.u32 v0, v1  }
0x35: {  	[tilespmem:s21+$0x400] =	vst v0;
	s21 =	simm.s32 $0x0  }
0x36: {  	[tilespmem:s13], [sflag:$0x2] =	stream.indirect.gather [hbm4b:s2+s11], $0x20, s11, s11, $0xb8;
	[tilespmem:$0x10800] =	vst v63  }
.LBB2_6:
0x37: {  	s22 =	sshll.u32 s21, $0xB  }
0x38: {  	s23 =	sadd.s32 s4, s22  }
0x39: {  	p0 =	seq.s32 s21, $0x31;
	s24 =	sshll.u32 s23, $0x5;
	s25 =	sshll.u32 s23, $0x7  }
0x3a: {  	s26 =	sshrl.u32 s23, $0x7;
	s24 =	sand.u32 $0x7FF80000, s24;
	s25 =	sand.u32 $0x40000, s25  }
.Ltmp4:
0x3b: {  	s31 =	sand.u32 $0x60, s26;
	s24 =	sor.u32 s25, s24;
	(pc) =	sbr.rel @p0 .LBB2_10-.Ltmp4, $4  }
0x3c: {  	_ =	swait.ge [sflag:s14], $0x8000;
	s24 =	sor.u32 s31, s24  }
0x3d: {  	[sflag:s14] =	ssyncset.done $0x0;
	s24 =	sshrl.u32 s24, $0x3  }
0x3e: {  	[sflag:s14] =	ssyncadd.s32 $0xFFFF8000;
	s24 =	sadd.s32 s7, s24  }
0x3f: {  	[hbm4b:s24+s15] =	stream.strided.scatter [tilespmem:s12], [sflag:$0x3], $0x8000, s16, s15, $0x38;
	[tilespmem:$0x10800] =	vst v63  }
0x40: {  	s23 =	sshrl.u32 s23, $0x3  }
0x41: {  	s23 =	sadd.s32 s5, s23  }
0x42: {  	s24 =	simm.s32 $0x0;
	s23 =	sadd.s32 $0x100, s23  }
0x43: {  	[tilespmem:s24], [sflag:$0x5] =	stream.linear.gather [hbm4b:s23+s24], $0x400, $0x38;
	[tilespmem:$0x10800] =	vst v63  }
0x44: {  	_ =	swait.ge [sflag:s10], $0x400  }
0x45: {  	[sflag:s10] =	ssyncset.done $0x0  }
0x46: {  	s23 =	simm.s32 $0x0;
	s24 =	simm.s32 $0x40;
	[sflag:s10] =	ssyncadd.s32 $0xFFFFFC00  }
.LBB2_8:
0x47: {  	p1 =	sne.s32 s24, $0xFC0;
	v0 =	vld [tilespmem:s23+$0x0];
	_ =	sdelay $0x4  }
.Ltmp5:
0x48: {  	v1 =	vshll.u32 v0, $0x2;
	(pc) =	sbr.rel @p1 .LBB2_8-.Ltmp5, $4  }
0x49: {  	v2 =	vand.u32 $0xFFFFF800, v0;
	v0 =	vshrl.u32 v0, $0x9;
	v1 =	vand.u32 $0x7FC, v1  }
0x4a: {  	v0 =	vand.u32 $0x3, v0;
	v1 =	vor.u32 v2, v1  }
0x4b: {  	v0 =	vor.u32 v0, v1  }
0x4c: {  	[tilespmem:s23+$0x0] =	vst v0;
	s23 =	sshra.s32 s24, $0x2;
	s24 =	sadd.s32 $0x40, s24  }
0x4d: {  	v0 =	vld [tilespmem:s23+$0x0];
	_ =	sdelay $0x4  }
0x4e: {  	v1 =	vshll.u32 v0, $0x2  }
0x4f: {  	v2 =	vand.u32 $0xFFFFF800, v0;
	v0 =	vshrl.u32 v0, $0x9;
	v1 =	vand.u32 $0x7FC, v1  }
0x50: {  	v0 =	vand.u32 $0x3, v0;
	v1 =	vor.u32 v2, v1  }
0x51: {  	v0 =	vor.u32 v0, v1  }
0x52: {  	[tilespmem:s23+$0x0] =	vst v0  }
0x53: {  	_ =	swait.ge [sflag:s18], $0x8000  }
0x54: {  	[sflag:s18] =	ssyncset.done $0x0  }
0x55: {  	[sflag:s18] =	ssyncadd.s32 $0xFFFF8000  }
0x56: {  	[tilespmem:s12], [sflag:$0x1] =	stream.indirect.gather [hbm4b:s2+s11], $0x20, s3, s11, $0xb8;
	[tilespmem:$0x10800] =	vst v63  }
.LBB2_10:
0x57: {  	s23 =	sor.u32 $0x400, s22  }
0x58: {  	s22 =	sadd.s32 s4, s23  }
0x59: {  	s23 =	sshll.u32 s23, $0x7;
	s24 =	sshll.u32 s22, $0x5  }
0x5a: {  	s23 =	sand.u32 $0x60000, s23;
	s25 =	sshrl.u32 s22, $0x7;
	s24 =	sand.u32 $0x7FF80000, s24  }
.Ltmp6:
0x5b: {  	s31 =	sand.u32 $0x60, s25;
	s23 =	sor.u32 s23, s24;
	(pc) =	sbr.rel @p0 .LBB2_14-.Ltmp6, $4  }
0x5c: {  	_ =	swait.ge [sflag:s17], $0x8000;
	s23 =	sor.u32 s31, s23  }
0x5d: {  	[sflag:s17] =	ssyncset.done $0x0;
	s23 =	sshrl.u32 s23, $0x3  }
0x5e: {  	[sflag:s17] =	ssyncadd.s32 $0xFFFF8000;
	s23 =	sadd.s32 s7, s23  }
0x5f: {  	[hbm4b:s23+s15] =	stream.strided.scatter [tilespmem:s13], [sflag:$0x4], $0x8000, s16, s15, $0x38;
	[tilespmem:$0x10800] =	vst v63  }
0x60: {  	s22 =	sshrl.u32 s22, $0x3  }
0x61: {  	s22 =	sadd.s32 s5, s22  }
0x62: {  	s23 =	simm.s32 $0x0;
	s22 =	sadd.s32 $0x100, s22  }
0x63: {  	[tilespmem:s11], [sflag:$0x5] =	stream.linear.gather [hbm4b:s22+s23], $0x400, $0x38;
	[tilespmem:$0x10800] =	vst v63  }
0x64: {  	_ =	swait.ge [sflag:s10], $0x400  }
0x65: {  	[sflag:s10] =	ssyncset.done $0x0  }
0x66: {  	s22 =	simm.s32 $0x0;
	s23 =	simm.s32 $0x40;
	[sflag:s10] =	ssyncadd.s32 $0xFFFFFC00  }
.LBB2_12:
0x67: {  	p0 =	sne.s32 s23, $0xFC0;
	v0 =	vld [tilespmem:s22+$0x400];
	_ =	sdelay $0x4  }
.Ltmp7:
0x68: {  	v1 =	vshll.u32 v0, $0x2;
	(pc) =	sbr.rel @p0 .LBB2_12-.Ltmp7, $4  }
0x69: {  	v2 =	vand.u32 $0xFFFFF800, v0;
	v0 =	vshrl.u32 v0, $0x9;
	v1 =	vand.u32 $0x7FC, v1  }
0x6a: {  	v0 =	vand.u32 $0x3, v0;
	v1 =	vor.u32 v2, v1  }
0x6b: {  	v0 =	vor.u32 v0, v1  }
0x6c: {  	[tilespmem:s22+$0x400] =	vst v0;
	s22 =	sshra.s32 s23, $0x2;
	s23 =	sadd.s32 $0x40, s23  }
0x6d: {  	v0 =	vld [tilespmem:s22+$0x400];
	_ =	sdelay $0x4  }
0x6e: {  	v1 =	vshll.u32 v0, $0x2  }
0x6f: {  	v2 =	vand.u32 $0xFFFFF800, v0;
	v0 =	vshrl.u32 v0, $0x9;
	v1 =	vand.u32 $0x7FC, v1  }
0x70: {  	v0 =	vand.u32 $0x3, v0;
	v1 =	vor.u32 v2, v1  }
0x71: {  	v0 =	vor.u32 v0, v1  }
.Ltmp8:
0x72: {  	[tilespmem:s22+$0x400] =	vst v0;
	(pc) =	sbr.rel .LBB2_6-.Ltmp8, $4  }
0x73: {  	_ =	swait.ge [sflag:s19], $0x8000  }
0x74: {  	[sflag:s19] =	ssyncset.done $0x0  }
0x75: {  	s21 =	sadd.s32 $0x1, s21;
	[sflag:s19] =	ssyncadd.s32 $0xFFFF8000  }
0x76: {  	[tilespmem:s13], [sflag:$0x2] =	stream.indirect.gather [hbm4b:s2+s11], $0x20, s11, s11, $0xb8;
	[tilespmem:$0x10800] =	vst v63  }
.LBB2_15:
0x77: {  	_ =	sfence.sel $0x180000  }
0x78: {  	[bflag:$0x0] =	sbarrier.arrive $0xFFFF  }
0x79: {  	p0 =	sne.s32 s0, $0x0;
	_ =	strace $0x90000047  }
0x7a: {  	s0 =	sadd.s32 @!p0 $0x100000, s1;
	[bflag:$0x2] =	sbarrier.arrive $0xFFFF  }
0x7b: {  	[sflag:s0] =	ssyncadd.tile.s32 @!p0 $0x1;
	_ =	shalt  }
.Lfunc_end2:
_tile_overlayer_lowered:
.L_overlay_start_2:
0x7c: {  	(tag) =	ssettag $0x2  }
0x7d: {  	s0 =	rddreg [dreg:$0x0];
	s2 =	stileid.u32  }
0x7e: {  	s1 =	rddreg [dreg:$0x1];
	p0 =	sne.s32 s2, $0x0  }
0x7f: {  	s3 =	rddreg [dreg:$0x2];
	[bflag:$0x3] =	sbarrier.arrive $0xFFFF;
	s2 =	simm.s32 @!p0 $0x1C05  }
0x80: {  	[timem:s3], [sflag:s2] =	dma.local @!p0 [hbm:s0], s1  }
0x81: {  	s0 =	simm.s32 @!p0 $0x5  }
0x82: {  	_ =	swait.ge @!p0 [sflag:s0], s1  }
0x83: {  	s1 =	ssub.s32 @!p0 $0x0, s1;
	[sflag:s0] =	ssyncset.done @!p0 $0x0  }
0x84: {  	[sflag:s0] =	ssyncadd.s32 @!p0 s1  }
0x85: {  	[bflag:$0x3] =	sbarrier.arrive $0xFFFF  }
0x86: {  	_ =	shalt  }

</sc_bundles>
